<compile_context>
chip_gen: v7x
topology: tpu7x:2x2x1
jax: 0.10.2.dev20260603
libtpu: 0.0.44.dev20260713+nightly
codegen_flags: <defaults>
</compile_context>

<pallas_src>
import functools

import jax
import jax.numpy as jnp
from jax import lax
from jax.experimental import pallas as pl
from jax.experimental.pallas import tpu as pltpu
from jax.experimental.pallas import tpu_sc as plsc

DIM = 128
BATCH = 16384

LANES = 16
NUM_WORKERS = 32
B_PER_W = BATCH // NUM_WORKERS
CHUNK = 128
N_CHUNKS = B_PER_W // CHUNK
NBUF = 3
GROUP = 2 * CHUNK

GROUPS = ((0, 0, 2), (0, 2, 2),
          (1, 0, 2), (1, 2, 2),
          (2, 0, 2), (2, 2, 2))


def _mf_body(user_table, item_table, user_list, pos_items, neg_items,
             user_out, pos_out, neg_out, partials,
             idx_all, bufs, acc_v, isem, *sems):
    gsem = sems[:NBUF]
    wsem = sems[NBUF:]
    tables = (user_table, item_table, item_table)
    idxs = (user_list, pos_items, neg_items)
    outs = (user_out, pos_out, neg_out)

    nc = 2
    wid = lax.axis_index("s") * nc + lax.axis_index("c")
    base = wid * B_PER_W

    crow = wid * N_CHUNKS
    idescs = [
        pltpu.async_copy(idx_hbm.at[pl.ds(crow, N_CHUNKS)],
                         idx_all.at[pl.ds(t * N_CHUNKS, N_CHUNKS)], isem)
        for t, idx_hbm in enumerate(idxs)
    ]
    idx_waited = [False] * 3

    def fire(grp):
        t, c0, nch = GROUPS[grp]
        if not idx_waited[t]:
            idescs[t].wait()
            idx_waited[t] = True
        b = grp % NBUF
        return [
            pltpu.async_copy(
                tables[t].at[idx_all.at[t * N_CHUNKS + c0 + k2]],
                bufs.at[b, pl.ds(k2 * CHUNK, CHUNK)], gsem[b])
            for k2 in range(nch)
        ]

    gdescs = [None] * len(GROUPS)
    for grp in range(NBUF):
        gdescs[grp] = fire(grp)

    accs = tuple(jnp.zeros((LANES,), jnp.float32) for _ in range(4))

    for grp in range(len(GROUPS)):
        t, c0, nch = GROUPS[grp]
        b = grp % NBUF
        rows = nch * CHUNK
        off = base + c0 * CHUNK
        for d in gdescs[grp]:
            d.wait()
        wdesc = pltpu.async_copy(
            bufs.at[b, pl.ds(0, rows)], outs[t].at[pl.ds(off, rows)],
            wsem[b])

        def body(r, xs, b=b):
            xs = list(xs)
            for rr in range(2):
                for cc in range(8):
                    v = bufs[b, 2 * r + rr, pl.ds(cc * LANES, LANES)]
                    xs[cc % 4] = xs[cc % 4] + v * v
            return tuple(xs)

        accs = lax.fori_loop(0, rows // 2, body, accs)
        wdesc.wait()
        if grp + NBUF < len(GROUPS):
            gdescs[grp + NBUF] = fire(grp + NBUF)

    acc_v[...] = (accs[0] + accs[1]) + (accs[2] + accs[3])
    pltpu.sync_copy(acc_v, partials.at[wid])


@jax.jit
def kernel(user_table, item_table, user_list, pos_items, neg_items):
    mesh = plsc.VectorSubcoreMesh(core_axis_name="c", subcore_axis_name="s")
    f = functools.partial(
        pl.kernel,
        mesh=mesh,
        out_type=[
            jax.ShapeDtypeStruct((BATCH, DIM), jnp.float32),
            jax.ShapeDtypeStruct((BATCH, DIM), jnp.float32),
            jax.ShapeDtypeStruct((BATCH, DIM), jnp.float32),
            jax.ShapeDtypeStruct((NUM_WORKERS, LANES), jnp.float32),
        ],
        scratch_types=[
            pltpu.VMEM((3 * N_CHUNKS, CHUNK), jnp.int32),
            pltpu.VMEM((NBUF, GROUP, DIM), jnp.float32),
            pltpu.VMEM((LANES,), jnp.float32),
        ] + [pltpu.SemaphoreType.DMA] * (1 + 2 * NBUF),
    )(_mf_body)
    user_emb, posI_emb, negI_emb, partials = f(
        user_table, item_table,
        user_list.astype(jnp.int32).reshape(BATCH // CHUNK, CHUNK),
        pos_items.astype(jnp.int32).reshape(BATCH // CHUNK, CHUNK),
        neg_items.astype(jnp.int32).reshape(BATCH // CHUNK, CHUNK),
    )
    reg = jnp.sum(partials) / jnp.float32(BATCH)
    return (user_emb, posI_emb, negI_emb, reg)

# --- scband reference (transcript-rebuilt; emitter-appended) ---
"""Pipeline reference for scband-mf-51170240365239 (READ-ONLY COPY).

The authoritative reference and input builder live on the scoring server;
editing this copy changes nothing except your own understanding.
"""

import jax, jax.numpy as jnp
import numpy as np

N_USERS = 100000
N_ITEMS = 100000
DIM = 128
BATCH = 16384

def setup_inputs(seed: int = 0) -> dict:
    key = jax.random.key(seed)
    k1, k2, k3, k4, k5 = jax.random.split(key, 5)
    user_table = jax.random.normal(k1, (N_USERS, DIM), dtype=jnp.float32) * 0.1
    item_table = jax.random.normal(k2, (N_ITEMS, DIM), dtype=jnp.float32) * 0.1
    user_list = jax.random.randint(k3, (BATCH,), 0, N_USERS, dtype=jnp.int64 if jax.config.jax_enable_x64 else jnp.int32)
    pos_items = jax.random.randint(k4, (BATCH,), 0, N_ITEMS, dtype=jnp.int64 if jax.config.jax_enable_x64 else jnp.int32)
    neg_items = jax.random.randint(k5, (BATCH,), 0, N_ITEMS, dtype=jnp.int64 if jax.config.jax_enable_x64 else jnp.int32)
    return {
        "user_table": user_table,
        "item_table": item_table,
        "user_list": user_list,
        "pos_items": pos_items,
        "neg_items": neg_items,
    }

def reference(user_table, item_table, user_list, pos_items, neg_items):
    # Embedding lookups (gather rows)
    user_emb = jnp.take(user_table, user_list, axis=0)
    posI_emb = jnp.take(item_table, pos_items, axis=0)
    negI_emb = jnp.take(item_table, neg_items, axis=0)
    # reg = mean of squared L2 norms of each embedding batch, summed
    reg = (
        jnp.mean(jnp.sum(user_emb ** 2, axis=1))
        + jnp.mean(jnp.sum(posI_emb ** 2, axis=1))
        + jnp.mean(jnp.sum(negI_emb ** 2, axis=1))
    )
    return (user_emb, posI_emb, negI_emb, reg)

if __name__ == "__main__":
    import jax
    _d = setup_inputs()
    print(jax.jit(kernel)(*tuple(_d.values())))

</pallas_src>

<mosaic_0001>
#map = affine_map<(d0, d1) -> (0, 0)>
module attributes {stable_mosaic.version = 14 : i64} {
  func.func @_mf_body(%arg0: i32, %arg1: i32, %arg2: memref<100000x128xf32, #tpu.memory_space<hbm>>, %arg3: memref<100000x128xf32, #tpu.memory_space<hbm>>, %arg4: memref<128x128xi32, #tpu.memory_space<hbm>>, %arg5: memref<128x128xi32, #tpu.memory_space<hbm>>, %arg6: memref<128x128xi32, #tpu.memory_space<hbm>>, %arg7: memref<16384x128xf32, #tpu.memory_space<hbm>>, %arg8: memref<16384x128xf32, #tpu.memory_space<hbm>>, %arg9: memref<16384x128xf32, #tpu.memory_space<hbm>>, %arg10: memref<32x16xf32, #tpu.memory_space<hbm>>, %arg11: memref<12x128xi32, #tpu.memory_space<vmem>>, %arg12: memref<3x256x128xf32, #tpu.memory_space<vmem>>, %arg13: memref<16xf32, #tpu.memory_space<vmem>>, %arg14: memref<!tpu.dma_semaphore, #tpu.memory_space<semaphore_mem>>, %arg15: memref<!tpu.dma_semaphore, #tpu.memory_space<semaphore_mem>>, %arg16: memref<!tpu.dma_semaphore, #tpu.memory_space<semaphore_mem>>, %arg17: memref<!tpu.dma_semaphore, #tpu.memory_space<semaphore_mem>>, %arg18: memref<!tpu.dma_semaphore, #tpu.memory_space<semaphore_mem>>, %arg19: memref<!tpu.dma_semaphore, #tpu.memory_space<semaphore_mem>>, %arg20: memref<!tpu.dma_semaphore, #tpu.memory_space<semaphore_mem>>) attributes {dimension_semantics = [#tpu.dimension_semantics<core_parallel>, #tpu.dimension_semantics<subcore_parallel>], iteration_bounds = array<i64: 2, 16>, scalar_prefetch = 0 : i64, scratch_operands = 10 : i64, tpu.core_type = #tpu.core_type<sc_vector_subcore>, window_params = [{transform_indices = #map}, {transform_indices = #map}, {transform_indices = #map}, {transform_indices = #map}, {transform_indices = #map}, {transform_indices = #map}, {transform_indices = #map}, {transform_indices = #map}, {transform_indices = #map}]} {
    %mul3A = arith.constant 2 : i32
    %mul3A_0 = arith.muli %arg1, %mul3A : i32
    %add3A = arith.addi %mul3A_0, %arg0 : i32
    %mul3A_1 = arith.constant 512 : i32
    %mul3A_2 = arith.muli %add3A, %mul3A_1 : i32
    %mul3A_3 = arith.constant 4 : i32
    %mul3A_4 = arith.muli %add3A, %mul3A_3 : i32
    %dma_start3A = arith.constant 0 : i32
    %dma_start3A_5 = arith.constant 0 : i32
    %dma_start3A_6 = tpu.memref_slice %arg11[%dma_start3A, %dma_start3A_5] : memref<12x128xi32, #tpu.memory_space<vmem>> -> memref<4x128xi32, #tpu.memory_space<vmem>>
    %dma_start3A_7 = arith.constant 0 : i32
    %dma_start3A_8 = tpu.memref_slice %arg4[%mul3A_4, %dma_start3A_7] : memref<128x128xi32, #tpu.memory_space<hbm>> -> memref<4x128xi32, #tpu.memory_space<hbm>>
    %dma_start3A_9 = arith.constant 0 : i32
    %dma_start3A_10 = arith.constant 0 : i32
    %dma_start3A_11 = tpu.memref_slice %arg11[%dma_start3A_9, %dma_start3A_10] : memref<12x128xi32, #tpu.memory_space<vmem>> -> memref<4x128xi32, #tpu.memory_space<vmem>>
    %dma_start3A_12 = arith.constant 0 : i32
    %dma_start3A_13 = tpu.memref_slice %arg4[%mul3A_4, %dma_start3A_12] : memref<128x128xi32, #tpu.memory_space<hbm>> -> memref<4x128xi32, #tpu.memory_space<hbm>>
    tpu.enqueue_dma source(%dma_start3A_13 : memref<4x128xi32, #tpu.memory_space<hbm>>) target(%dma_start3A_11 : memref<4x128xi32, #tpu.memory_space<vmem>>) target_semaphore(%arg14 : memref<!tpu.dma_semaphore, #tpu.memory_space<semaphore_mem>>)
    %dma_start3A_14 = arith.constant 4 : i32
    %dma_start3A_15 = arith.constant 0 : i32
    %dma_start3A_16 = tpu.memref_slice %arg11[%dma_start3A_14, %dma_start3A_15] : memref<12x128xi32, #tpu.memory_space<vmem>> -> memref<4x128xi32, #tpu.memory_space<vmem>>
    %dma_start3A_17 = arith.constant 0 : i32
    %dma_start3A_18 = tpu.memref_slice %arg5[%mul3A_4, %dma_start3A_17] : memref<128x128xi32, #tpu.memory_space<hbm>> -> memref<4x128xi32, #tpu.memory_space<hbm>>
    %dma_start3A_19 = arith.constant 4 : i32
    %dma_start3A_20 = arith.constant 0 : i32
    %dma_start3A_21 = tpu.memref_slice %arg11[%dma_start3A_19, %dma_start3A_20] : memref<12x128xi32, #tpu.memory_space<vmem>> -> memref<4x128xi32, #tpu.memory_space<vmem>>
    %dma_start3A_22 = arith.constant 0 : i32
    %dma_start3A_23 = tpu.memref_slice %arg5[%mul3A_4, %dma_start3A_22] : memref<128x128xi32, #tpu.memory_space<hbm>> -> memref<4x128xi32, #tpu.memory_space<hbm>>
    tpu.enqueue_dma source(%dma_start3A_23 : memref<4x128xi32, #tpu.memory_space<hbm>>) target(%dma_start3A_21 : memref<4x128xi32, #tpu.memory_space<vmem>>) target_semaphore(%arg14 : memref<!tpu.dma_semaphore, #tpu.memory_space<semaphore_mem>>)
    %dma_start3A_24 = arith.constant 8 : i32
    %dma_start3A_25 = arith.constant 0 : i32
    %dma_start3A_26 = tpu.memref_slice %arg11[%dma_start3A_24, %dma_start3A_25] : memref<12x128xi32, #tpu.memory_space<vmem>> -> memref<4x128xi32, #tpu.memory_space<vmem>>
    %dma_start3A_27 = arith.constant 0 : i32
    %dma_start3A_28 = tpu.memref_slice %arg6[%mul3A_4, %dma_start3A_27] : memref<128x128xi32, #tpu.memory_space<hbm>> -> memref<4x128xi32, #tpu.memory_space<hbm>>
    %dma_start3A_29 = arith.constant 8 : i32
    %dma_start3A_30 = arith.constant 0 : i32
    %dma_start3A_31 = tpu.memref_slice %arg11[%dma_start3A_29, %dma_start3A_30] : memref<12x128xi32, #tpu.memory_space<vmem>> -> memref<4x128xi32, #tpu.memory_space<vmem>>
    %dma_start3A_32 = arith.constant 0 : i32
    %dma_start3A_33 = tpu.memref_slice %arg6[%mul3A_4, %dma_start3A_32] : memref<128x128xi32, #tpu.memory_space<hbm>> -> memref<4x128xi32, #tpu.memory_space<hbm>>
    tpu.enqueue_dma source(%dma_start3A_33 : memref<4x128xi32, #tpu.memory_space<hbm>>) target(%dma_start3A_31 : memref<4x128xi32, #tpu.memory_space<vmem>>) target_semaphore(%arg14 : memref<!tpu.dma_semaphore, #tpu.memory_space<semaphore_mem>>)
    %dma_wait3A = arith.constant 0 : i32
    %dma_wait3A_34 = arith.constant 0 : i32
    %dma_wait3A_35 = tpu.memref_slice %arg11[%dma_wait3A, %dma_wait3A_34] : memref<12x128xi32, #tpu.memory_space<vmem>> -> memref<4x128xi32, #tpu.memory_space<vmem>>
    %dma_wait3A_36 = arith.constant 0 : i32
    %dma_wait3A_37 = tpu.memref_slice %arg4[%mul3A_4, %dma_wait3A_36] : memref<128x128xi32, #tpu.memory_space<hbm>> -> memref<4x128xi32, #tpu.memory_space<hbm>>
    %dma_wait3A_38 = arith.constant 0 : i32
    %dma_wait3A_39 = arith.constant 0 : i32
    %dma_wait3A_40 = tpu.memref_slice %arg11[%dma_wait3A_38, %dma_wait3A_39] : memref<12x128xi32, #tpu.memory_space<vmem>> -> memref<4x128xi32, #tpu.memory_space<vmem>>
    %dma_wait3A_41 = arith.constant 0 : i32
    %dma_wait3A_42 = tpu.memref_slice %arg4[%mul3A_4, %dma_wait3A_41] : memref<128x128xi32, #tpu.memory_space<hbm>> -> memref<4x128xi32, #tpu.memory_space<hbm>>
    tpu.wait_dma2 semaphore(%arg14 : memref<!tpu.dma_semaphore, #tpu.memory_space<semaphore_mem>>) src(%dma_wait3A_42 : memref<4x128xi32, #tpu.memory_space<hbm>>) dst(%dma_wait3A_40 : memref<4x128xi32, #tpu.memory_space<vmem>>)
    %dma_start3A_43 = arith.constant 0 : i32
    %dma_start3A_44 = arith.constant 0 : i32
    %dma_start3A_45 = arith.constant 0 : i32
    %dma_start3A_46 = arith.constant 0 : i32
    %dma_start3A_47 = tpu.memref_slice %arg12[%dma_start3A_44, %dma_start3A_45, %dma_start3A_46] : memref<3x256x128xf32, #tpu.memory_space<vmem>> -> memref<1x128x128xf32, #tpu.memory_space<vmem>>
    %dma_start3A_48 = tpu.memref_squeeze %dma_start3A_47 : memref<1x128x128xf32, #tpu.memory_space<vmem>> -> memref<128x128xf32, #tpu.memory_space<vmem>>
    %dma_start3A_49 = arith.constant 0 : i32
    %dma_start3A_50 = tpu.memref_slice %arg11[%dma_start3A_43, %dma_start3A_49] : memref<12x128xi32, #tpu.memory_space<vmem>> -> memref<1x128xi32, #tpu.memory_space<vmem>>
    %dma_start3A_51 = tpu.memref_squeeze %dma_start3A_50 : memref<1x128xi32, #tpu.memory_space<vmem>> -> memref<128xi32, #tpu.memory_space<vmem>>
    %dma_start3A_52 = arith.constant 0 : i32
    %dma_start3A_53 = arith.constant 0 : i32
    %dma_start3A_54 = tpu.memref_slice %arg2[%dma_start3A_52, %dma_start3A_53] : memref<100000x128xf32, #tpu.memory_space<hbm>> -> memref<100000x128xf32, #tpu.memory_space<hbm>>
    tpu.enqueue_indirect_dma source(%dma_start3A_54 : memref<100000x128xf32, #tpu.memory_space<hbm>>) target(%dma_start3A_48 : memref<128x128xf32, #tpu.memory_space<vmem>>) offsets(%dma_start3A_51 : memref<128xi32, #tpu.memory_space<vmem>>) semaphore(%arg15 : memref<!tpu.dma_semaphore, #tpu.memory_space<semaphore_mem>>)
    %dma_start3A_55 = arith.constant 1 : i32
    %dma_start3A_56 = arith.constant 0 : i32
    %dma_start3A_57 = arith.constant 128 : i32
    %dma_start3A_58 = arith.constant 0 : i32
    %dma_start3A_59 = tpu.memref_slice %arg12[%dma_start3A_56, %dma_start3A_57, %dma_start3A_58] : memref<3x256x128xf32, #tpu.memory_space<vmem>> -> memref<1x128x128xf32, #tpu.memory_space<vmem>>
    %dma_start3A_60 = tpu.memref_squeeze %dma_start3A_59 : memref<1x128x128xf32, #tpu.memory_space<vmem>> -> memref<128x128xf32, #tpu.memory_space<vmem>>
    %dma_start3A_61 = arith.constant 0 : i32
    %dma_start3A_62 = tpu.memref_slice %arg11[%dma_start3A_55, %dma_start3A_61] : memref<12x128xi32, #tpu.memory_space<vmem>> -> memref<1x128xi32, #tpu.memory_space<vmem>>
    %dma_start3A_63 = tpu.memref_squeeze %dma_start3A_62 : memref<1x128xi32, #tpu.memory_space<vmem>> -> memref<128xi32, #tpu.memory_space<vmem>>
    %dma_start3A_64 = arith.constant 0 : i32
    %dma_start3A_65 = arith.constant 0 : i32
    %dma_start3A_66 = tpu.memref_slice %arg2[%dma_start3A_64, %dma_start3A_65] : memref<100000x128xf32, #tpu.memory_space<hbm>> -> memref<100000x128xf32, #tpu.memory_space<hbm>>
    tpu.enqueue_indirect_dma source(%dma_start3A_66 : memref<100000x128xf32, #tpu.memory_space<hbm>>) target(%dma_start3A_60 : memref<128x128xf32, #tpu.memory_space<vmem>>) offsets(%dma_start3A_63 : memref<128xi32, #tpu.memory_space<vmem>>) semaphore(%arg15 : memref<!tpu.dma_semaphore, #tpu.memory_space<semaphore_mem>>)
    %dma_start3A_67 = arith.constant 2 : i32
    %dma_start3A_68 = arith.constant 1 : i32
    %dma_start3A_69 = arith.constant 0 : i32
    %dma_start3A_70 = arith.constant 0 : i32
    %dma_start3A_71 = tpu.memref_slice %arg12[%dma_start3A_68, %dma_start3A_69, %dma_start3A_70] : memref<3x256x128xf32, #tpu.memory_space<vmem>> -> memref<1x128x128xf32, #tpu.memory_space<vmem>>
    %dma_start3A_72 = tpu.memref_squeeze %dma_start3A_71 : memref<1x128x128xf32, #tpu.memory_space<vmem>> -> memref<128x128xf32, #tpu.memory_space<vmem>>
    %dma_start3A_73 = arith.constant 0 : i32
    %dma_start3A_74 = tpu.memref_slice %arg11[%dma_start3A_67, %dma_start3A_73] : memref<12x128xi32, #tpu.memory_space<vmem>> -> memref<1x128xi32, #tpu.memory_space<vmem>>
    %dma_start3A_75 = tpu.memref_squeeze %dma_start3A_74 : memref<1x128xi32, #tpu.memory_space<vmem>> -> memref<128xi32, #tpu.memory_space<vmem>>
    %dma_start3A_76 = arith.constant 0 : i32
    %dma_start3A_77 = arith.constant 0 : i32
    %dma_start3A_78 = tpu.memref_slice %arg2[%dma_start3A_76, %dma_start3A_77] : memref<100000x128xf32, #tpu.memory_space<hbm>> -> memref<100000x128xf32, #tpu.memory_space<hbm>>
    tpu.enqueue_indirect_dma source(%dma_start3A_78 : memref<100000x128xf32, #tpu.memory_space<hbm>>) target(%dma_start3A_72 : memref<128x128xf32, #tpu.memory_space<vmem>>) offsets(%dma_start3A_75 : memref<128xi32, #tpu.memory_space<vmem>>) semaphore(%arg16 : memref<!tpu.dma_semaphore, #tpu.memory_space<semaphore_mem>>)
    %dma_start3A_79 = arith.constant 3 : i32
    %dma_start3A_80 = arith.constant 1 : i32
    %dma_start3A_81 = arith.constant 128 : i32
    %dma_start3A_82 = arith.constant 0 : i32
    %dma_start3A_83 = tpu.memref_slice %arg12[%dma_start3A_80, %dma_start3A_81, %dma_start3A_82] : memref<3x256x128xf32, #tpu.memory_space<vmem>> -> memref<1x128x128xf32, #tpu.memory_space<vmem>>
    %dma_start3A_84 = tpu.memref_squeeze %dma_start3A_83 : memref<1x128x128xf32, #tpu.memory_space<vmem>> -> memref<128x128xf32, #tpu.memory_space<vmem>>
    %dma_start3A_85 = arith.constant 0 : i32
    %dma_start3A_86 = tpu.memref_slice %arg11[%dma_start3A_79, %dma_start3A_85] : memref<12x128xi32, #tpu.memory_space<vmem>> -> memref<1x128xi32, #tpu.memory_space<vmem>>
    %dma_start3A_87 = tpu.memref_squeeze %dma_start3A_86 : memref<1x128xi32, #tpu.memory_space<vmem>> -> memref<128xi32, #tpu.memory_space<vmem>>
    %dma_start3A_88 = arith.constant 0 : i32
    %dma_start3A_89 = arith.constant 0 : i32
    %dma_start3A_90 = tpu.memref_slice %arg2[%dma_start3A_88, %dma_start3A_89] : memref<100000x128xf32, #tpu.memory_space<hbm>> -> memref<100000x128xf32, #tpu.memory_space<hbm>>
    tpu.enqueue_indirect_dma source(%dma_start3A_90 : memref<100000x128xf32, #tpu.memory_space<hbm>>) target(%dma_start3A_84 : memref<128x128xf32, #tpu.memory_space<vmem>>) offsets(%dma_start3A_87 : memref<128xi32, #tpu.memory_space<vmem>>) semaphore(%arg16 : memref<!tpu.dma_semaphore, #tpu.memory_space<semaphore_mem>>)
    %dma_wait3A_91 = arith.constant 4 : i32
    %dma_wait3A_92 = arith.constant 0 : i32
    %dma_wait3A_93 = tpu.memref_slice %arg11[%dma_wait3A_91, %dma_wait3A_92] : memref<12x128xi32, #tpu.memory_space<vmem>> -> memref<4x128xi32, #tpu.memory_space<vmem>>
    %dma_wait3A_94 = arith.constant 0 : i32
    %dma_wait3A_95 = tpu.memref_slice %arg5[%mul3A_4, %dma_wait3A_94] : memref<128x128xi32, #tpu.memory_space<hbm>> -> memref<4x128xi32, #tpu.memory_space<hbm>>
    %dma_wait3A_96 = arith.constant 4 : i32
    %dma_wait3A_97 = arith.constant 0 : i32
    %dma_wait3A_98 = tpu.memref_slice %arg11[%dma_wait3A_96, %dma_wait3A_97] : memref<12x128xi32, #tpu.memory_space<vmem>> -> memref<4x128xi32, #tpu.memory_space<vmem>>
    %dma_wait3A_99 = arith.constant 0 : i32
    %dma_wait3A_100 = tpu.memref_slice %arg5[%mul3A_4, %dma_wait3A_99] : memref<128x128xi32, #tpu.memory_space<hbm>> -> memref<4x128xi32, #tpu.memory_space<hbm>>
    tpu.wait_dma2 semaphore(%arg14 : memref<!tpu.dma_semaphore, #tpu.memory_space<semaphore_mem>>) src(%dma_wait3A_100 : memref<4x128xi32, #tpu.memory_space<hbm>>) dst(%dma_wait3A_98 : memref<4x128xi32, #tpu.memory_space<vmem>>)
    %dma_start3A_101 = arith.constant 4 : i32
    %dma_start3A_102 = arith.constant 2 : i32
    %dma_start3A_103 = arith.constant 0 : i32
    %dma_start3A_104 = arith.constant 0 : i32
    %dma_start3A_105 = tpu.memref_slice %arg12[%dma_start3A_102, %dma_start3A_103, %dma_start3A_104] : memref<3x256x128xf32, #tpu.memory_space<vmem>> -> memref<1x128x128xf32, #tpu.memory_space<vmem>>
    %dma_start3A_106 = tpu.memref_squeeze %dma_start3A_105 : memref<1x128x128xf32, #tpu.memory_space<vmem>> -> memref<128x128xf32, #tpu.memory_space<vmem>>
    %dma_start3A_107 = arith.constant 0 : i32
    %dma_start3A_108 = tpu.memref_slice %arg11[%dma_start3A_101, %dma_start3A_107] : memref<12x128xi32, #tpu.memory_space<vmem>> -> memref<1x128xi32, #tpu.memory_space<vmem>>
    %dma_start3A_109 = tpu.memref_squeeze %dma_start3A_108 : memref<1x128xi32, #tpu.memory_space<vmem>> -> memref<128xi32, #tpu.memory_space<vmem>>
    %dma_start3A_110 = arith.constant 0 : i32
    %dma_start3A_111 = arith.constant 0 : i32
    %dma_start3A_112 = tpu.memref_slice %arg3[%dma_start3A_110, %dma_start3A_111] : memref<100000x128xf32, #tpu.memory_space<hbm>> -> memref<100000x128xf32, #tpu.memory_space<hbm>>
    tpu.enqueue_indirect_dma source(%dma_start3A_112 : memref<100000x128xf32, #tpu.memory_space<hbm>>) target(%dma_start3A_106 : memref<128x128xf32, #tpu.memory_space<vmem>>) offsets(%dma_start3A_109 : memref<128xi32, #tpu.memory_space<vmem>>) semaphore(%arg17 : memref<!tpu.dma_semaphore, #tpu.memory_space<semaphore_mem>>)
    %dma_start3A_113 = arith.constant 5 : i32
    %dma_start3A_114 = arith.constant 2 : i32
    %dma_start3A_115 = arith.constant 128 : i32
    %dma_start3A_116 = arith.constant 0 : i32
    %dma_start3A_117 = tpu.memref_slice %arg12[%dma_start3A_114, %dma_start3A_115, %dma_start3A_116] : memref<3x256x128xf32, #tpu.memory_space<vmem>> -> memref<1x128x128xf32, #tpu.memory_space<vmem>>
    %dma_start3A_118 = tpu.memref_squeeze %dma_start3A_117 : memref<1x128x128xf32, #tpu.memory_space<vmem>> -> memref<128x128xf32, #tpu.memory_space<vmem>>
    %dma_start3A_119 = arith.constant 0 : i32
    %dma_start3A_120 = tpu.memref_slice %arg11[%dma_start3A_113, %dma_start3A_119] : memref<12x128xi32, #tpu.memory_space<vmem>> -> memref<1x128xi32, #tpu.memory_space<vmem>>
    %dma_start3A_121 = tpu.memref_squeeze %dma_start3A_120 : memref<1x128xi32, #tpu.memory_space<vmem>> -> memref<128xi32, #tpu.memory_space<vmem>>
    %dma_start3A_122 = arith.constant 0 : i32
    %dma_start3A_123 = arith.constant 0 : i32
    %dma_start3A_124 = tpu.memref_slice %arg3[%dma_start3A_122, %dma_start3A_123] : memref<100000x128xf32, #tpu.memory_space<hbm>> -> memref<100000x128xf32, #tpu.memory_space<hbm>>
    tpu.enqueue_indirect_dma source(%dma_start3A_124 : memref<100000x128xf32, #tpu.memory_space<hbm>>) target(%dma_start3A_118 : memref<128x128xf32, #tpu.memory_space<vmem>>) offsets(%dma_start3A_121 : memref<128xi32, #tpu.memory_space<vmem>>) semaphore(%arg17 : memref<!tpu.dma_semaphore, #tpu.memory_space<semaphore_mem>>)
    %broadcast_in_dim3A = arith.constant 0.000000e+00 : f32
    %broadcast_in_dim3A_125 = vector.broadcast %broadcast_in_dim3A : f32 to vector<16xf32>
    %broadcast_in_dim3A_126 = arith.constant 0.000000e+00 : f32
    %broadcast_in_dim3A_127 = vector.broadcast %broadcast_in_dim3A_126 : f32 to vector<16xf32>
    %broadcast_in_dim3A_128 = arith.constant 0.000000e+00 : f32
    %broadcast_in_dim3A_129 = vector.broadcast %broadcast_in_dim3A_128 : f32 to vector<16xf32>
    %broadcast_in_dim3A_130 = arith.constant 0.000000e+00 : f32
    %broadcast_in_dim3A_131 = vector.broadcast %broadcast_in_dim3A_130 : f32 to vector<16xf32>
    %add3A_132 = arith.constant 0 : i32
    %add3A_133 = arith.addi %mul3A_2, %add3A_132 : i32
    %dma_wait3A_134 = arith.constant 0 : i32
    %dma_wait3A_135 = arith.constant 0 : i32
    %dma_wait3A_136 = arith.constant 0 : i32
    %dma_wait3A_137 = arith.constant 0 : i32
    %dma_wait3A_138 = tpu.memref_slice %arg12[%dma_wait3A_135, %dma_wait3A_136, %dma_wait3A_137] : memref<3x256x128xf32, #tpu.memory_space<vmem>> -> memref<1x128x128xf32, #tpu.memory_space<vmem>>
    %dma_wait3A_139 = tpu.memref_squeeze %dma_wait3A_138 : memref<1x128x128xf32, #tpu.memory_space<vmem>> -> memref<128x128xf32, #tpu.memory_space<vmem>>
    %dma_wait3A_140 = arith.constant 0 : i32
    %dma_wait3A_141 = tpu.memref_slice %arg11[%dma_wait3A_134, %dma_wait3A_140] : memref<12x128xi32, #tpu.memory_space<vmem>> -> memref<1x128xi32, #tpu.memory_space<vmem>>
    %dma_wait3A_142 = tpu.memref_squeeze %dma_wait3A_141 : memref<1x128xi32, #tpu.memory_space<vmem>> -> memref<128xi32, #tpu.memory_space<vmem>>
    %dma_wait3A_143 = arith.constant 0 : i32
    %dma_wait3A_144 = arith.constant 0 : i32
    %dma_wait3A_145 = tpu.memref_slice %arg2[%dma_wait3A_143, %dma_wait3A_144] : memref<100000x128xf32, #tpu.memory_space<hbm>> -> memref<100000x128xf32, #tpu.memory_space<hbm>>
    tpu.wait_indirect_dma semaphore(%arg15 : memref<!tpu.dma_semaphore, #tpu.memory_space<semaphore_mem>>) src(%dma_wait3A_145 : memref<100000x128xf32, #tpu.memory_space<hbm>>) dst(%dma_wait3A_139 : memref<128x128xf32, #tpu.memory_space<vmem>>)
    %dma_wait3A_146 = arith.constant 1 : i32
    %dma_wait3A_147 = arith.constant 0 : i32
    %dma_wait3A_148 = arith.constant 128 : i32
    %dma_wait3A_149 = arith.constant 0 : i32
    %dma_wait3A_150 = tpu.memref_slice %arg12[%dma_wait3A_147, %dma_wait3A_148, %dma_wait3A_149] : memref<3x256x128xf32, #tpu.memory_space<vmem>> -> memref<1x128x128xf32, #tpu.memory_space<vmem>>
    %dma_wait3A_151 = tpu.memref_squeeze %dma_wait3A_150 : memref<1x128x128xf32, #tpu.memory_space<vmem>> -> memref<128x128xf32, #tpu.memory_space<vmem>>
    %dma_wait3A_152 = arith.constant 0 : i32
    %dma_wait3A_153 = tpu.memref_slice %arg11[%dma_wait3A_146, %dma_wait3A_152] : memref<12x128xi32, #tpu.memory_space<vmem>> -> memref<1x128xi32, #tpu.memory_space<vmem>>
    %dma_wait3A_154 = tpu.memref_squeeze %dma_wait3A_153 : memref<1x128xi32, #tpu.memory_space<vmem>> -> memref<128xi32, #tpu.memory_space<vmem>>
    %dma_wait3A_155 = arith.constant 0 : i32
    %dma_wait3A_156 = arith.constant 0 : i32
    %dma_wait3A_157 = tpu.memref_slice %arg2[%dma_wait3A_155, %dma_wait3A_156] : memref<100000x128xf32, #tpu.memory_space<hbm>> -> memref<100000x128xf32, #tpu.memory_space<hbm>>
    tpu.wait_indirect_dma semaphore(%arg15 : memref<!tpu.dma_semaphore, #tpu.memory_space<semaphore_mem>>) src(%dma_wait3A_157 : memref<100000x128xf32, #tpu.memory_space<hbm>>) dst(%dma_wait3A_151 : memref<128x128xf32, #tpu.memory_space<vmem>>)
    %dma_start3A_158 = arith.constant 0 : i32
    %dma_start3A_159 = arith.constant 0 : i32
    %dma_start3A_160 = arith.constant 0 : i32
    %dma_start3A_161 = tpu.memref_slice %arg12[%dma_start3A_158, %dma_start3A_159, %dma_start3A_160] : memref<3x256x128xf32, #tpu.memory_space<vmem>> -> memref<1x256x128xf32, #tpu.memory_space<vmem>>
    %dma_start3A_162 = tpu.memref_squeeze %dma_start3A_161 : memref<1x256x128xf32, #tpu.memory_space<vmem>> -> memref<256x128xf32, #tpu.memory_space<vmem>>
    %dma_start3A_163 = arith.constant 0 : i32
    %dma_start3A_164 = tpu.memref_slice %arg7[%add3A_133, %dma_start3A_163] : memref<16384x128xf32, #tpu.memory_space<hbm>> -> memref<256x128xf32, #tpu.memory_space<hbm>>
    %dma_start3A_165 = arith.constant 0 : i32
    %dma_start3A_166 = tpu.memref_slice %arg7[%add3A_133, %dma_start3A_165] : memref<16384x128xf32, #tpu.memory_space<hbm>> -> memref<256x128xf32, #tpu.memory_space<hbm>>
    %dma_start3A_167 = arith.constant 0 : i32
    %dma_start3A_168 = arith.constant 0 : i32
    %dma_start3A_169 = tpu.memref_slice %arg12[%dma_start3A_158, %dma_start3A_167, %dma_start3A_168] : memref<3x256x128xf32, #tpu.memory_space<vmem>> -> memref<1x256x128xf32, #tpu.memory_space<vmem>>
    %dma_start3A_170 = tpu.memref_squeeze %dma_start3A_169 : memref<1x256x128xf32, #tpu.memory_space<vmem>> -> memref<256x128xf32, #tpu.memory_space<vmem>>
    tpu.enqueue_dma source(%dma_start3A_170 : memref<256x128xf32, #tpu.memory_space<vmem>>) target(%dma_start3A_166 : memref<256x128xf32, #tpu.memory_space<hbm>>) target_semaphore(%arg18 : memref<!tpu.dma_semaphore, #tpu.memory_space<semaphore_mem>>)
    %scan3A = arith.constant 0 : i32
    %scan3A_171 = arith.constant 128 : i32
    %scan3A_172 = arith.addi %scan3A, %scan3A_171 : i32
    %scan3A_173 = arith.constant 1 : i32
    %scan3A_174:4 = scf.for %scan3A_567 = %scan3A to %scan3A_172 step %scan3A_173 iter_args(%scan3A_568 = %broadcast_in_dim3A_125, %scan3A_569 = %broadcast_in_dim3A_127, %scan3A_570 = %broadcast_in_dim3A_129, %scan3A_571 = %broadcast_in_dim3A_131) -> (vector<16xf32>, vector<16xf32>, vector<16xf32>, vector<16xf32>)  : i32 {
      %mul3A_572 = arith.constant 2 : i32
      %mul3A_573 = arith.muli %mul3A_572, %scan3A_567 : i32
      %add3A_574 = arith.constant 0 : i32
      %add3A_575 = arith.addi %mul3A_573, %add3A_574 : i32
      %get3A = arith.constant 0 : i32
      %get3A_576 = arith.index_cast %get3A : i32 to index
      %get3A_577 = arith.index_cast %add3A_575 : i32 to index
      %get3A_578 = arith.constant 0 : index
      %get3A_579 = tpu.vector_load %arg12[%get3A_576, %get3A_577, %get3A_578] {strides = array<i32>} : memref<3x256x128xf32, #tpu.memory_space<vmem>>, vector<1x1x16xf32>,
      %get3A_580 = vector.shape_cast %get3A_579 : vector<1x1x16xf32> to vector<16xf32>
      %mul3A_581 = arith.mulf %get3A_580, %get3A_580 : vector<16xf32>
      %add3A_582 = arith.addf %scan3A_568, %mul3A_581 : vector<16xf32>
      %mul3A_583 = arith.constant 2 : i32
      %mul3A_584 = arith.muli %mul3A_583, %scan3A_567 : i32
      %add3A_585 = arith.constant 0 : i32
      %add3A_586 = arith.addi %mul3A_584, %add3A_585 : i32
      %get3A_587 = arith.constant 0 : i32
      %get3A_588 = arith.index_cast %get3A_587 : i32 to index
      %get3A_589 = arith.index_cast %add3A_586 : i32 to index
      %get3A_590 = arith.constant 16 : index
      %get3A_591 = tpu.vector_load %arg12[%get3A_588, %get3A_589, %get3A_590] {strides = array<i32>} : memref<3x256x128xf32, #tpu.memory_space<vmem>>, vector<1x1x16xf32>,
      %get3A_592 = vector.shape_cast %get3A_591 : vector<1x1x16xf32> to vector<16xf32>
      %mul3A_593 = arith.mulf %get3A_592, %get3A_592 : vector<16xf32>
      %add3A_594 = arith.addf %scan3A_569, %mul3A_593 : vector<16xf32>
      %mul3A_595 = arith.constant 2 : i32
      %mul3A_596 = arith.muli %mul3A_595, %scan3A_567 : i32
      %add3A_597 = arith.constant 0 : i32
      %add3A_598 = arith.addi %mul3A_596, %add3A_597 : i32
      %get3A_599 = arith.constant 0 : i32
      %get3A_600 = arith.index_cast %get3A_599 : i32 to index
      %get3A_601 = arith.index_cast %add3A_598 : i32 to index
      %get3A_602 = arith.constant 32 : index
      %get3A_603 = tpu.vector_load %arg12[%get3A_600, %get3A_601, %get3A_602] {strides = array<i32>} : memref<3x256x128xf32, #tpu.memory_space<vmem>>, vector<1x1x16xf32>,
      %get3A_604 = vector.shape_cast %get3A_603 : vector<1x1x16xf32> to vector<16xf32>
      %mul3A_605 = arith.mulf %get3A_604, %get3A_604 : vector<16xf32>
      %add3A_606 = arith.addf %scan3A_570, %mul3A_605 : vector<16xf32>
      %mul3A_607 = arith.constant 2 : i32
      %mul3A_608 = arith.muli %mul3A_607, %scan3A_567 : i32
      %add3A_609 = arith.constant 0 : i32
      %add3A_610 = arith.addi %mul3A_608, %add3A_609 : i32
      %get3A_611 = arith.constant 0 : i32
      %get3A_612 = arith.index_cast %get3A_611 : i32 to index
      %get3A_613 = arith.index_cast %add3A_610 : i32 to index
      %get3A_614 = arith.constant 48 : index
      %get3A_615 = tpu.vector_load %arg12[%get3A_612, %get3A_613, %get3A_614] {strides = array<i32>} : memref<3x256x128xf32, #tpu.memory_space<vmem>>, vector<1x1x16xf32>,
      %get3A_616 = vector.shape_cast %get3A_615 : vector<1x1x16xf32> to vector<16xf32>
      %mul3A_617 = arith.mulf %get3A_616, %get3A_616 : vector<16xf32>
      %add3A_618 = arith.addf %scan3A_571, %mul3A_617 : vector<16xf32>
      %mul3A_619 = arith.constant 2 : i32
      %mul3A_620 = arith.muli %mul3A_619, %scan3A_567 : i32
      %add3A_621 = arith.constant 0 : i32
      %add3A_622 = arith.addi %mul3A_620, %add3A_621 : i32
      %get3A_623 = arith.constant 0 : i32
      %get3A_624 = arith.index_cast %get3A_623 : i32 to index
      %get3A_625 = arith.index_cast %add3A_622 : i32 to index
      %get3A_626 = arith.constant 64 : index
      %get3A_627 = tpu.vector_load %arg12[%get3A_624, %get3A_625, %get3A_626] {strides = array<i32>} : memref<3x256x128xf32, #tpu.memory_space<vmem>>, vector<1x1x16xf32>,
      %get3A_628 = vector.shape_cast %get3A_627 : vector<1x1x16xf32> to vector<16xf32>
      %mul3A_629 = arith.mulf %get3A_628, %get3A_628 : vector<16xf32>
      %add3A_630 = arith.addf %add3A_582, %mul3A_629 : vector<16xf32>
      %mul3A_631 = arith.constant 2 : i32
      %mul3A_632 = arith.muli %mul3A_631, %scan3A_567 : i32
      %add3A_633 = arith.constant 0 : i32
      %add3A_634 = arith.addi %mul3A_632, %add3A_633 : i32
      %get3A_635 = arith.constant 0 : i32
      %get3A_636 = arith.index_cast %get3A_635 : i32 to index
      %get3A_637 = arith.index_cast %add3A_634 : i32 to index
      %get3A_638 = arith.constant 80 : index
      %get3A_639 = tpu.vector_load %arg12[%get3A_636, %get3A_637, %get3A_638] {strides = array<i32>} : memref<3x256x128xf32, #tpu.memory_space<vmem>>, vector<1x1x16xf32>,
      %get3A_640 = vector.shape_cast %get3A_639 : vector<1x1x16xf32> to vector<16xf32>
      %mul3A_641 = arith.mulf %get3A_640, %get3A_640 : vector<16xf32>
      %add3A_642 = arith.addf %add3A_594, %mul3A_641 : vector<16xf32>
      %mul3A_643 = arith.constant 2 : i32
      %mul3A_644 = arith.muli %mul3A_643, %scan3A_567 : i32
      %add3A_645 = arith.constant 0 : i32
      %add3A_646 = arith.addi %mul3A_644, %add3A_645 : i32
      %get3A_647 = arith.constant 0 : i32
      %get3A_648 = arith.index_cast %get3A_647 : i32 to index
      %get3A_649 = arith.index_cast %add3A_646 : i32 to index
      %get3A_650 = arith.constant 96 : index
      %get3A_651 = tpu.vector_load %arg12[%get3A_648, %get3A_649, %get3A_650] {strides = array<i32>} : memref<3x256x128xf32, #tpu.memory_space<vmem>>, vector<1x1x16xf32>,
      %get3A_652 = vector.shape_cast %get3A_651 : vector<1x1x16xf32> to vector<16xf32>
      %mul3A_653 = arith.mulf %get3A_652, %get3A_652 : vector<16xf32>
      %add3A_654 = arith.addf %add3A_606, %mul3A_653 : vector<16xf32>
      %mul3A_655 = arith.constant 2 : i32
      %mul3A_656 = arith.muli %mul3A_655, %scan3A_567 : i32
      %add3A_657 = arith.constant 0 : i32
      %add3A_658 = arith.addi %mul3A_656, %add3A_657 : i32
      %get3A_659 = arith.constant 0 : i32
      %get3A_660 = arith.index_cast %get3A_659 : i32 to index
      %get3A_661 = arith.index_cast %add3A_658 : i32 to index
      %get3A_662 = arith.constant 112 : index
      %get3A_663 = tpu.vector_load %arg12[%get3A_660, %get3A_661, %get3A_662] {strides = array<i32>} : memref<3x256x128xf32, #tpu.memory_space<vmem>>, vector<1x1x16xf32>,
      %get3A_664 = vector.shape_cast %get3A_663 : vector<1x1x16xf32> to vector<16xf32>
      %mul3A_665 = arith.mulf %get3A_664, %get3A_664 : vector<16xf32>
      %add3A_666 = arith.addf %add3A_618, %mul3A_665 : vector<16xf32>
      %mul3A_667 = arith.constant 2 : i32
      %mul3A_668 = arith.muli %mul3A_667, %scan3A_567 : i32
      %add3A_669 = arith.constant 1 : i32
      %add3A_670 = arith.addi %mul3A_668, %add3A_669 : i32
      %get3A_671 = arith.constant 0 : i32
      %get3A_672 = arith.index_cast %get3A_671 : i32 to index
      %get3A_673 = arith.index_cast %add3A_670 : i32 to index
      %get3A_674 = arith.constant 0 : index
      %get3A_675 = tpu.vector_load %arg12[%get3A_672, %get3A_673, %get3A_674] {strides = array<i32>} : memref<3x256x128xf32, #tpu.memory_space<vmem>>, vector<1x1x16xf32>,
      %get3A_676 = vector.shape_cast %get3A_675 : vector<1x1x16xf32> to vector<16xf32>
      %mul3A_677 = arith.mulf %get3A_676, %get3A_676 : vector<16xf32>
      %add3A_678 = arith.addf %add3A_630, %mul3A_677 : vector<16xf32>
      %mul3A_679 = arith.constant 2 : i32
      %mul3A_680 = arith.muli %mul3A_679, %scan3A_567 : i32
      %add3A_681 = arith.constant 1 : i32
      %add3A_682 = arith.addi %mul3A_680, %add3A_681 : i32
      %get3A_683 = arith.constant 0 : i32
      %get3A_684 = arith.index_cast %get3A_683 : i32 to index
      %get3A_685 = arith.index_cast %add3A_682 : i32 to index
      %get3A_686 = arith.constant 16 : index
      %get3A_687 = tpu.vector_load %arg12[%get3A_684, %get3A_685, %get3A_686] {strides = array<i32>} : memref<3x256x128xf32, #tpu.memory_space<vmem>>, vector<1x1x16xf32>,
      %get3A_688 = vector.shape_cast %get3A_687 : vector<1x1x16xf32> to vector<16xf32>
      %mul3A_689 = arith.mulf %get3A_688, %get3A_688 : vector<16xf32>
      %add3A_690 = arith.addf %add3A_642, %mul3A_689 : vector<16xf32>
      %mul3A_691 = arith.constant 2 : i32
      %mul3A_692 = arith.muli %mul3A_691, %scan3A_567 : i32
      %add3A_693 = arith.constant 1 : i32
      %add3A_694 = arith.addi %mul3A_692, %add3A_693 : i32
      %get3A_695 = arith.constant 0 : i32
      %get3A_696 = arith.index_cast %get3A_695 : i32 to index
      %get3A_697 = arith.index_cast %add3A_694 : i32 to index
      %get3A_698 = arith.constant 32 : index
      %get3A_699 = tpu.vector_load %arg12[%get3A_696, %get3A_697, %get3A_698] {strides = array<i32>} : memref<3x256x128xf32, #tpu.memory_space<vmem>>, vector<1x1x16xf32>,
      %get3A_700 = vector.shape_cast %get3A_699 : vector<1x1x16xf32> to vector<16xf32>
      %mul3A_701 = arith.mulf %get3A_700, %get3A_700 : vector<16xf32>
      %add3A_702 = arith.addf %add3A_654, %mul3A_701 : vector<16xf32>
      %mul3A_703 = arith.constant 2 : i32
      %mul3A_704 = arith.muli %mul3A_703, %scan3A_567 : i32
      %add3A_705 = arith.constant 1 : i32
      %add3A_706 = arith.addi %mul3A_704, %add3A_705 : i32
      %get3A_707 = arith.constant 0 : i32
      %get3A_708 = arith.index_cast %get3A_707 : i32 to index
      %get3A_709 = arith.index_cast %add3A_706 : i32 to index
      %get3A_710 = arith.constant 48 : index
      %get3A_711 = tpu.vector_load %arg12[%get3A_708, %get3A_709, %get3A_710] {strides = array<i32>} : memref<3x256x128xf32, #tpu.memory_space<vmem>>, vector<1x1x16xf32>,
      %get3A_712 = vector.shape_cast %get3A_711 : vector<1x1x16xf32> to vector<16xf32>
      %mul3A_713 = arith.mulf %get3A_712, %get3A_712 : vector<16xf32>
      %add3A_714 = arith.addf %add3A_666, %mul3A_713 : vector<16xf32>
      %mul3A_715 = arith.constant 2 : i32
      %mul3A_716 = arith.muli %mul3A_715, %scan3A_567 : i32
      %add3A_717 = arith.constant 1 : i32
      %add3A_718 = arith.addi %mul3A_716, %add3A_717 : i32
      %get3A_719 = arith.constant 0 : i32
      %get3A_720 = arith.index_cast %get3A_719 : i32 to index
      %get3A_721 = arith.index_cast %add3A_718 : i32 to index
      %get3A_722 = arith.constant 64 : index
      %get3A_723 = tpu.vector_load %arg12[%get3A_720, %get3A_721, %get3A_722] {strides = array<i32>} : memref<3x256x128xf32, #tpu.memory_space<vmem>>, vector<1x1x16xf32>,
      %get3A_724 = vector.shape_cast %get3A_723 : vector<1x1x16xf32> to vector<16xf32>
      %mul3A_725 = arith.mulf %get3A_724, %get3A_724 : vector<16xf32>
      %add3A_726 = arith.addf %add3A_678, %mul3A_725 : vector<16xf32>
      %mul3A_727 = arith.constant 2 : i32
      %mul3A_728 = arith.muli %mul3A_727, %scan3A_567 : i32
      %add3A_729 = arith.constant 1 : i32
      %add3A_730 = arith.addi %mul3A_728, %add3A_729 : i32
      %get3A_731 = arith.constant 0 : i32
      %get3A_732 = arith.index_cast %get3A_731 : i32 to index
      %get3A_733 = arith.index_cast %add3A_730 : i32 to index
      %get3A_734 = arith.constant 80 : index
      %get3A_735 = tpu.vector_load %arg12[%get3A_732, %get3A_733, %get3A_734] {strides = array<i32>} : memref<3x256x128xf32, #tpu.memory_space<vmem>>, vector<1x1x16xf32>,
      %get3A_736 = vector.shape_cast %get3A_735 : vector<1x1x16xf32> to vector<16xf32>
      %mul3A_737 = arith.mulf %get3A_736, %get3A_736 : vector<16xf32>
      %add3A_738 = arith.addf %add3A_690, %mul3A_737 : vector<16xf32>
      %mul3A_739 = arith.constant 2 : i32
      %mul3A_740 = arith.muli %mul3A_739, %scan3A_567 : i32
      %add3A_741 = arith.constant 1 : i32
      %add3A_742 = arith.addi %mul3A_740, %add3A_741 : i32
      %get3A_743 = arith.constant 0 : i32
      %get3A_744 = arith.index_cast %get3A_743 : i32 to index
      %get3A_745 = arith.index_cast %add3A_742 : i32 to index
      %get3A_746 = arith.constant 96 : index
      %get3A_747 = tpu.vector_load %arg12[%get3A_744, %get3A_745, %get3A_746] {strides = array<i32>} : memref<3x256x128xf32, #tpu.memory_space<vmem>>, vector<1x1x16xf32>,
      %get3A_748 = vector.shape_cast %get3A_747 : vector<1x1x16xf32> to vector<16xf32>
      %mul3A_749 = arith.mulf %get3A_748, %get3A_748 : vector<16xf32>
      %add3A_750 = arith.addf %add3A_702, %mul3A_749 : vector<16xf32>
      %mul3A_751 = arith.constant 2 : i32
      %mul3A_752 = arith.muli %mul3A_751, %scan3A_567 : i32
      %add3A_753 = arith.constant 1 : i32
      %add3A_754 = arith.addi %mul3A_752, %add3A_753 : i32
      %get3A_755 = arith.constant 0 : i32
      %get3A_756 = arith.index_cast %get3A_755 : i32 to index
      %get3A_757 = arith.index_cast %add3A_754 : i32 to index
      %get3A_758 = arith.constant 112 : index
      %get3A_759 = tpu.vector_load %arg12[%get3A_756, %get3A_757, %get3A_758] {strides = array<i32>} : memref<3x256x128xf32, #tpu.memory_space<vmem>>, vector<1x1x16xf32>,
      %get3A_760 = vector.shape_cast %get3A_759 : vector<1x1x16xf32> to vector<16xf32>
      %mul3A_761 = arith.mulf %get3A_760, %get3A_760 : vector<16xf32>
      %add3A_762 = arith.addf %add3A_714, %mul3A_761 : vector<16xf32>
      scf.yield %add3A_726, %add3A_738, %add3A_750, %add3A_762 : vector<16xf32>, vector<16xf32>, vector<16xf32>, vector<16xf32>
    }
    %scan3A_175 = arith.constant 128 : i32
    %dma_wait3A_176 = arith.constant 0 : i32
    %dma_wait3A_177 = arith.constant 0 : i32
    %dma_wait3A_178 = arith.constant 0 : i32
    %dma_wait3A_179 = tpu.memref_slice %arg12[%dma_wait3A_176, %dma_wait3A_177, %dma_wait3A_178] : memref<3x256x128xf32, #tpu.memory_space<vmem>> -> memref<1x256x128xf32, #tpu.memory_space<vmem>>
    %dma_wait3A_180 = tpu.memref_squeeze %dma_wait3A_179 : memref<1x256x128xf32, #tpu.memory_space<vmem>> -> memref<256x128xf32, #tpu.memory_space<vmem>>
    %dma_wait3A_181 = arith.constant 0 : i32
    %dma_wait3A_182 = tpu.memref_slice %arg7[%add3A_133, %dma_wait3A_181] : memref<16384x128xf32, #tpu.memory_space<hbm>> -> memref<256x128xf32, #tpu.memory_space<hbm>>
    %dma_wait3A_183 = arith.constant 0 : i32
    %dma_wait3A_184 = tpu.memref_slice %arg7[%add3A_133, %dma_wait3A_183] : memref<16384x128xf32, #tpu.memory_space<hbm>> -> memref<256x128xf32, #tpu.memory_space<hbm>>
    %dma_wait3A_185 = arith.constant 0 : i32
    %dma_wait3A_186 = arith.constant 0 : i32
    %dma_wait3A_187 = tpu.memref_slice %arg12[%dma_wait3A_176, %dma_wait3A_185, %dma_wait3A_186] : memref<3x256x128xf32, #tpu.memory_space<vmem>> -> memref<1x256x128xf32, #tpu.memory_space<vmem>>
    %dma_wait3A_188 = tpu.memref_squeeze %dma_wait3A_187 : memref<1x256x128xf32, #tpu.memory_space<vmem>> -> memref<256x128xf32, #tpu.memory_space<vmem>>
    tpu.wait_dma2 semaphore(%arg18 : memref<!tpu.dma_semaphore, #tpu.memory_space<semaphore_mem>>) src(%dma_wait3A_188 : memref<256x128xf32, #tpu.memory_space<vmem>>) dst(%dma_wait3A_184 : memref<256x128xf32, #tpu.memory_space<hbm>>)
    %dma_start3A_189 = arith.constant 6 : i32
    %dma_start3A_190 = arith.constant 0 : i32
    %dma_start3A_191 = arith.constant 0 : i32
    %dma_start3A_192 = arith.constant 0 : i32
    %dma_start3A_193 = tpu.memref_slice %arg12[%dma_start3A_190, %dma_start3A_191, %dma_start3A_192] : memref<3x256x128xf32, #tpu.memory_space<vmem>> -> memref<1x128x128xf32, #tpu.memory_space<vmem>>
    %dma_start3A_194 = tpu.memref_squeeze %dma_start3A_193 : memref<1x128x128xf32, #tpu.memory_space<vmem>> -> memref<128x128xf32, #tpu.memory_space<vmem>>
    %dma_start3A_195 = arith.constant 0 : i32
    %dma_start3A_196 = tpu.memref_slice %arg11[%dma_start3A_189, %dma_start3A_195] : memref<12x128xi32, #tpu.memory_space<vmem>> -> memref<1x128xi32, #tpu.memory_space<vmem>>
    %dma_start3A_197 = tpu.memref_squeeze %dma_start3A_196 : memref<1x128xi32, #tpu.memory_space<vmem>> -> memref<128xi32, #tpu.memory_space<vmem>>
    %dma_start3A_198 = arith.constant 0 : i32
    %dma_start3A_199 = arith.constant 0 : i32
    %dma_start3A_200 = tpu.memref_slice %arg3[%dma_start3A_198, %dma_start3A_199] : memref<100000x128xf32, #tpu.memory_space<hbm>> -> memref<100000x128xf32, #tpu.memory_space<hbm>>
    tpu.enqueue_indirect_dma source(%dma_start3A_200 : memref<100000x128xf32, #tpu.memory_space<hbm>>) target(%dma_start3A_194 : memref<128x128xf32, #tpu.memory_space<vmem>>) offsets(%dma_start3A_197 : memref<128xi32, #tpu.memory_space<vmem>>) semaphore(%arg15 : memref<!tpu.dma_semaphore, #tpu.memory_space<semaphore_mem>>)
    %dma_start3A_201 = arith.constant 7 : i32
    %dma_start3A_202 = arith.constant 0 : i32
    %dma_start3A_203 = arith.constant 128 : i32
    %dma_start3A_204 = arith.constant 0 : i32
    %dma_start3A_205 = tpu.memref_slice %arg12[%dma_start3A_202, %dma_start3A_203, %dma_start3A_204] : memref<3x256x128xf32, #tpu.memory_space<vmem>> -> memref<1x128x128xf32, #tpu.memory_space<vmem>>
    %dma_start3A_206 = tpu.memref_squeeze %dma_start3A_205 : memref<1x128x128xf32, #tpu.memory_space<vmem>> -> memref<128x128xf32, #tpu.memory_space<vmem>>
    %dma_start3A_207 = arith.constant 0 : i32
    %dma_start3A_208 = tpu.memref_slice %arg11[%dma_start3A_201, %dma_start3A_207] : memref<12x128xi32, #tpu.memory_space<vmem>> -> memref<1x128xi32, #tpu.memory_space<vmem>>
    %dma_start3A_209 = tpu.memref_squeeze %dma_start3A_208 : memref<1x128xi32, #tpu.memory_space<vmem>> -> memref<128xi32, #tpu.memory_space<vmem>>
    %dma_start3A_210 = arith.constant 0 : i32
    %dma_start3A_211 = arith.constant 0 : i32
    %dma_start3A_212 = tpu.memref_slice %arg3[%dma_start3A_210, %dma_start3A_211] : memref<100000x128xf32, #tpu.memory_space<hbm>> -> memref<100000x128xf32, #tpu.memory_space<hbm>>
    tpu.enqueue_indirect_dma source(%dma_start3A_212 : memref<100000x128xf32, #tpu.memory_space<hbm>>) target(%dma_start3A_206 : memref<128x128xf32, #tpu.memory_space<vmem>>) offsets(%dma_start3A_209 : memref<128xi32, #tpu.memory_space<vmem>>) semaphore(%arg15 : memref<!tpu.dma_semaphore, #tpu.memory_space<semaphore_mem>>)
    %add3A_213 = arith.constant 256 : i32
    %add3A_214 = arith.addi %mul3A_2, %add3A_213 : i32
    %dma_wait3A_215 = arith.constant 2 : i32
    %dma_wait3A_216 = arith.constant 1 : i32
    %dma_wait3A_217 = arith.constant 0 : i32
    %dma_wait3A_218 = arith.constant 0 : i32
    %dma_wait3A_219 = tpu.memref_slice %arg12[%dma_wait3A_216, %dma_wait3A_217, %dma_wait3A_218] : memref<3x256x128xf32, #tpu.memory_space<vmem>> -> memref<1x128x128xf32, #tpu.memory_space<vmem>>
    %dma_wait3A_220 = tpu.memref_squeeze %dma_wait3A_219 : memref<1x128x128xf32, #tpu.memory_space<vmem>> -> memref<128x128xf32, #tpu.memory_space<vmem>>
    %dma_wait3A_221 = arith.constant 0 : i32
    %dma_wait3A_222 = tpu.memref_slice %arg11[%dma_wait3A_215, %dma_wait3A_221] : memref<12x128xi32, #tpu.memory_space<vmem>> -> memref<1x128xi32, #tpu.memory_space<vmem>>
    %dma_wait3A_223 = tpu.memref_squeeze %dma_wait3A_222 : memref<1x128xi32, #tpu.memory_space<vmem>> -> memref<128xi32, #tpu.memory_space<vmem>>
    %dma_wait3A_224 = arith.constant 0 : i32
    %dma_wait3A_225 = arith.constant 0 : i32
    %dma_wait3A_226 = tpu.memref_slice %arg2[%dma_wait3A_224, %dma_wait3A_225] : memref<100000x128xf32, #tpu.memory_space<hbm>> -> memref<100000x128xf32, #tpu.memory_space<hbm>>
    tpu.wait_indirect_dma semaphore(%arg16 : memref<!tpu.dma_semaphore, #tpu.memory_space<semaphore_mem>>) src(%dma_wait3A_226 : memref<100000x128xf32, #tpu.memory_space<hbm>>) dst(%dma_wait3A_220 : memref<128x128xf32, #tpu.memory_space<vmem>>)
    %dma_wait3A_227 = arith.constant 3 : i32
    %dma_wait3A_228 = arith.constant 1 : i32
    %dma_wait3A_229 = arith.constant 128 : i32
    %dma_wait3A_230 = arith.constant 0 : i32
    %dma_wait3A_231 = tpu.memref_slice %arg12[%dma_wait3A_228, %dma_wait3A_229, %dma_wait3A_230] : memref<3x256x128xf32, #tpu.memory_space<vmem>> -> memref<1x128x128xf32, #tpu.memory_space<vmem>>
    %dma_wait3A_232 = tpu.memref_squeeze %dma_wait3A_231 : memref<1x128x128xf32, #tpu.memory_space<vmem>> -> memref<128x128xf32, #tpu.memory_space<vmem>>
    %dma_wait3A_233 = arith.constant 0 : i32
    %dma_wait3A_234 = tpu.memref_slice %arg11[%dma_wait3A_227, %dma_wait3A_233] : memref<12x128xi32, #tpu.memory_space<vmem>> -> memref<1x128xi32, #tpu.memory_space<vmem>>
    %dma_wait3A_235 = tpu.memref_squeeze %dma_wait3A_234 : memref<1x128xi32, #tpu.memory_space<vmem>> -> memref<128xi32, #tpu.memory_space<vmem>>
    %dma_wait3A_236 = arith.constant 0 : i32
    %dma_wait3A_237 = arith.constant 0 : i32
    %dma_wait3A_238 = tpu.memref_slice %arg2[%dma_wait3A_236, %dma_wait3A_237] : memref<100000x128xf32, #tpu.memory_space<hbm>> -> memref<100000x128xf32, #tpu.memory_space<hbm>>
    tpu.wait_indirect_dma semaphore(%arg16 : memref<!tpu.dma_semaphore, #tpu.memory_space<semaphore_mem>>) src(%dma_wait3A_238 : memref<100000x128xf32, #tpu.memory_space<hbm>>) dst(%dma_wait3A_232 : memref<128x128xf32, #tpu.memory_space<vmem>>)
    %dma_start3A_239 = arith.constant 1 : i32
    %dma_start3A_240 = arith.constant 0 : i32
    %dma_start3A_241 = arith.constant 0 : i32
    %dma_start3A_242 = tpu.memref_slice %arg12[%dma_start3A_239, %dma_start3A_240, %dma_start3A_241] : memref<3x256x128xf32, #tpu.memory_space<vmem>> -> memref<1x256x128xf32, #tpu.memory_space<vmem>>
    %dma_start3A_243 = tpu.memref_squeeze %dma_start3A_242 : memref<1x256x128xf32, #tpu.memory_space<vmem>> -> memref<256x128xf32, #tpu.memory_space<vmem>>
    %dma_start3A_244 = arith.constant 0 : i32
    %dma_start3A_245 = tpu.memref_slice %arg7[%add3A_214, %dma_start3A_244] : memref<16384x128xf32, #tpu.memory_space<hbm>> -> memref<256x128xf32, #tpu.memory_space<hbm>>
    %dma_start3A_246 = arith.constant 0 : i32
    %dma_start3A_247 = tpu.memref_slice %arg7[%add3A_214, %dma_start3A_246] : memref<16384x128xf32, #tpu.memory_space<hbm>> -> memref<256x128xf32, #tpu.memory_space<hbm>>
    %dma_start3A_248 = arith.constant 0 : i32
    %dma_start3A_249 = arith.constant 0 : i32
    %dma_start3A_250 = tpu.memref_slice %arg12[%dma_start3A_239, %dma_start3A_248, %dma_start3A_249] : memref<3x256x128xf32, #tpu.memory_space<vmem>> -> memref<1x256x128xf32, #tpu.memory_space<vmem>>
    %dma_start3A_251 = tpu.memref_squeeze %dma_start3A_250 : memref<1x256x128xf32, #tpu.memory_space<vmem>> -> memref<256x128xf32, #tpu.memory_space<vmem>>
    tpu.enqueue_dma source(%dma_start3A_251 : memref<256x128xf32, #tpu.memory_space<vmem>>) target(%dma_start3A_247 : memref<256x128xf32, #tpu.memory_space<hbm>>) target_semaphore(%arg19 : memref<!tpu.dma_semaphore, #tpu.memory_space<semaphore_mem>>)
    %scan3A_252 = arith.constant 0 : i32
    %scan3A_253 = arith.constant 128 : i32
    %scan3A_254 = arith.addi %scan3A_252, %scan3A_253 : i32
    %scan3A_255 = arith.constant 1 : i32
    %scan3A_256:4 = scf.for %scan3A_567 = %scan3A_252 to %scan3A_254 step %scan3A_255 iter_args(%scan3A_568 = %scan3A_174#0, %scan3A_569 = %scan3A_174#1, %scan3A_570 = %scan3A_174#2, %scan3A_571 = %scan3A_174#3) -> (vector<16xf32>, vector<16xf32>, vector<16xf32>, vector<16xf32>)  : i32 {
      %mul3A_572 = arith.constant 2 : i32
      %mul3A_573 = arith.muli %mul3A_572, %scan3A_567 : i32
      %add3A_574 = arith.constant 0 : i32
      %add3A_575 = arith.addi %mul3A_573, %add3A_574 : i32
      %get3A = arith.constant 1 : i32
      %get3A_576 = arith.index_cast %get3A : i32 to index
      %get3A_577 = arith.index_cast %add3A_575 : i32 to index
      %get3A_578 = arith.constant 0 : index
      %get3A_579 = tpu.vector_load %arg12[%get3A_576, %get3A_577, %get3A_578] {strides = array<i32>} : memref<3x256x128xf32, #tpu.memory_space<vmem>>, vector<1x1x16xf32>,
      %get3A_580 = vector.shape_cast %get3A_579 : vector<1x1x16xf32> to vector<16xf32>
      %mul3A_581 = arith.mulf %get3A_580, %get3A_580 : vector<16xf32>
      %add3A_582 = arith.addf %scan3A_568, %mul3A_581 : vector<16xf32>
      %mul3A_583 = arith.constant 2 : i32
      %mul3A_584 = arith.muli %mul3A_583, %scan3A_567 : i32
      %add3A_585 = arith.constant 0 : i32
      %add3A_586 = arith.addi %mul3A_584, %add3A_585 : i32
      %get3A_587 = arith.constant 1 : i32
      %get3A_588 = arith.index_cast %get3A_587 : i32 to index
      %get3A_589 = arith.index_cast %add3A_586 : i32 to index
      %get3A_590 = arith.constant 16 : index
      %get3A_591 = tpu.vector_load %arg12[%get3A_588, %get3A_589, %get3A_590] {strides = array<i32>} : memref<3x256x128xf32, #tpu.memory_space<vmem>>, vector<1x1x16xf32>,
      %get3A_592 = vector.shape_cast %get3A_591 : vector<1x1x16xf32> to vector<16xf32>
      %mul3A_593 = arith.mulf %get3A_592, %get3A_592 : vector<16xf32>
      %add3A_594 = arith.addf %scan3A_569, %mul3A_593 : vector<16xf32>
      %mul3A_595 = arith.constant 2 : i32
      %mul3A_596 = arith.muli %mul3A_595, %scan3A_567 : i32
      %add3A_597 = arith.constant 0 : i32
      %add3A_598 = arith.addi %mul3A_596, %add3A_597 : i32
      %get3A_599 = arith.constant 1 : i32
      %get3A_600 = arith.index_cast %get3A_599 : i32 to index
      %get3A_601 = arith.index_cast %add3A_598 : i32 to index
      %get3A_602 = arith.constant 32 : index
      %get3A_603 = tpu.vector_load %arg12[%get3A_600, %get3A_601, %get3A_602] {strides = array<i32>} : memref<3x256x128xf32, #tpu.memory_space<vmem>>, vector<1x1x16xf32>,
      %get3A_604 = vector.shape_cast %get3A_603 : vector<1x1x16xf32> to vector<16xf32>
      %mul3A_605 = arith.mulf %get3A_604, %get3A_604 : vector<16xf32>
      %add3A_606 = arith.addf %scan3A_570, %mul3A_605 : vector<16xf32>
      %mul3A_607 = arith.constant 2 : i32
      %mul3A_608 = arith.muli %mul3A_607, %scan3A_567 : i32
      %add3A_609 = arith.constant 0 : i32
      %add3A_610 = arith.addi %mul3A_608, %add3A_609 : i32
      %get3A_611 = arith.constant 1 : i32
      %get3A_612 = arith.index_cast %get3A_611 : i32 to index
      %get3A_613 = arith.index_cast %add3A_610 : i32 to index
      %get3A_614 = arith.constant 48 : index
      %get3A_615 = tpu.vector_load %arg12[%get3A_612, %get3A_613, %get3A_614] {strides = array<i32>} : memref<3x256x128xf32, #tpu.memory_space<vmem>>, vector<1x1x16xf32>,
      %get3A_616 = vector.shape_cast %get3A_615 : vector<1x1x16xf32> to vector<16xf32>
      %mul3A_617 = arith.mulf %get3A_616, %get3A_616 : vector<16xf32>
      %add3A_618 = arith.addf %scan3A_571, %mul3A_617 : vector<16xf32>
      %mul3A_619 = arith.constant 2 : i32
      %mul3A_620 = arith.muli %mul3A_619, %scan3A_567 : i32
      %add3A_621 = arith.constant 0 : i32
      %add3A_622 = arith.addi %mul3A_620, %add3A_621 : i32
      %get3A_623 = arith.constant 1 : i32
      %get3A_624 = arith.index_cast %get3A_623 : i32 to index
      %get3A_625 = arith.index_cast %add3A_622 : i32 to index
      %get3A_626 = arith.constant 64 : index
      %get3A_627 = tpu.vector_load %arg12[%get3A_624, %get3A_625, %get3A_626] {strides = array<i32>} : memref<3x256x128xf32, #tpu.memory_space<vmem>>, vector<1x1x16xf32>,
      %get3A_628 = vector.shape_cast %get3A_627 : vector<1x1x16xf32> to vector<16xf32>
      %mul3A_629 = arith.mulf %get3A_628, %get3A_628 : vector<16xf32>
      %add3A_630 = arith.addf %add3A_582, %mul3A_629 : vector<16xf32>
      %mul3A_631 = arith.constant 2 : i32
      %mul3A_632 = arith.muli %mul3A_631, %scan3A_567 : i32
      %add3A_633 = arith.constant 0 : i32
      %add3A_634 = arith.addi %mul3A_632, %add3A_633 : i32
      %get3A_635 = arith.constant 1 : i32
      %get3A_636 = arith.index_cast %get3A_635 : i32 to index
      %get3A_637 = arith.index_cast %add3A_634 : i32 to index
      %get3A_638 = arith.constant 80 : index
      %get3A_639 = tpu.vector_load %arg12[%get3A_636, %get3A_637, %get3A_638] {strides = array<i32>} : memref<3x256x128xf32, #tpu.memory_space<vmem>>, vector<1x1x16xf32>,
      %get3A_640 = vector.shape_cast %get3A_639 : vector<1x1x16xf32> to vector<16xf32>
      %mul3A_641 = arith.mulf %get3A_640, %get3A_640 : vector<16xf32>
      %add3A_642 = arith.addf %add3A_594, %mul3A_641 : vector<16xf32>
      %mul3A_643 = arith.constant 2 : i32
      %mul3A_644 = arith.muli %mul3A_643, %scan3A_567 : i32
      %add3A_645 = arith.constant 0 : i32
      %add3A_646 = arith.addi %mul3A_644, %add3A_645 : i32
      %get3A_647 = arith.constant 1 : i32
      %get3A_648 = arith.index_cast %get3A_647 : i32 to index
      %get3A_649 = arith.index_cast %add3A_646 : i32 to index
      %get3A_650 = arith.constant 96 : index
      %get3A_651 = tpu.vector_load %arg12[%get3A_648, %get3A_649, %get3A_650] {strides = array<i32>} : memref<3x256x128xf32, #tpu.memory_space<vmem>>, vector<1x1x16xf32>,
      %get3A_652 = vector.shape_cast %get3A_651 : vector<1x1x16xf32> to vector<16xf32>
      %mul3A_653 = arith.mulf %get3A_652, %get3A_652 : vector<16xf32>
      %add3A_654 = arith.addf %add3A_606, %mul3A_653 : vector<16xf32>
      %mul3A_655 = arith.constant 2 : i32
      %mul3A_656 = arith.muli %mul3A_655, %scan3A_567 : i32
      %add3A_657 = arith.constant 0 : i32
      %add3A_658 = arith.addi %mul3A_656, %add3A_657 : i32
      %get3A_659 = arith.constant 1 : i32
      %get3A_660 = arith.index_cast %get3A_659 : i32 to index
      %get3A_661 = arith.index_cast %add3A_658 : i32 to index
      %get3A_662 = arith.constant 112 : index
      %get3A_663 = tpu.vector_load %arg12[%get3A_660, %get3A_661, %get3A_662] {strides = array<i32>} : memref<3x256x128xf32, #tpu.memory_space<vmem>>, vector<1x1x16xf32>,
      %get3A_664 = vector.shape_cast %get3A_663 : vector<1x1x16xf32> to vector<16xf32>
      %mul3A_665 = arith.mulf %get3A_664, %get3A_664 : vector<16xf32>
      %add3A_666 = arith.addf %add3A_618, %mul3A_665 : vector<16xf32>
      %mul3A_667 = arith.constant 2 : i32
      %mul3A_668 = arith.muli %mul3A_667, %scan3A_567 : i32
      %add3A_669 = arith.constant 1 : i32
      %add3A_670 = arith.addi %mul3A_668, %add3A_669 : i32
      %get3A_671 = arith.constant 1 : i32
      %get3A_672 = arith.index_cast %get3A_671 : i32 to index
      %get3A_673 = arith.index_cast %add3A_670 : i32 to index
      %get3A_674 = arith.constant 0 : index
      %get3A_675 = tpu.vector_load %arg12[%get3A_672, %get3A_673, %get3A_674] {strides = array<i32>} : memref<3x256x128xf32, #tpu.memory_space<vmem>>, vector<1x1x16xf32>,
      %get3A_676 = vector.shape_cast %get3A_675 : vector<1x1x16xf32> to vector<16xf32>
      %mul3A_677 = arith.mulf %get3A_676, %get3A_676 : vector<16xf32>
      %add3A_678 = arith.addf %add3A_630, %mul3A_677 : vector<16xf32>
      %mul3A_679 = arith.constant 2 : i32
      %mul3A_680 = arith.muli %mul3A_679, %scan3A_567 : i32
      %add3A_681 = arith.constant 1 : i32
      %add3A_682 = arith.addi %mul3A_680, %add3A_681 : i32
      %get3A_683 = arith.constant 1 : i32
      %get3A_684 = arith.index_cast %get3A_683 : i32 to index
      %get3A_685 = arith.index_cast %add3A_682 : i32 to index
      %get3A_686 = arith.constant 16 : index
      %get3A_687 = tpu.vector_load %arg12[%get3A_684, %get3A_685, %get3A_686] {strides = array<i32>} : memref<3x256x128xf32, #tpu.memory_space<vmem>>, vector<1x1x16xf32>,
      %get3A_688 = vector.shape_cast %get3A_687 : vector<1x1x16xf32> to vector<16xf32>
      %mul3A_689 = arith.mulf %get3A_688, %get3A_688 : vector<16xf32>
      %add3A_690 = arith.addf %add3A_642, %mul3A_689 : vector<16xf32>
      %mul3A_691 = arith.constant 2 : i32
      %mul3A_692 = arith.muli %mul3A_691, %scan3A_567 : i32
      %add3A_693 = arith.constant 1 : i32
      %add3A_694 = arith.addi %mul3A_692, %add3A_693 : i32
      %get3A_695 = arith.constant 1 : i32
      %get3A_696 = arith.index_cast %get3A_695 : i32 to index
      %get3A_697 = arith.index_cast %add3A_694 : i32 to index
      %get3A_698 = arith.constant 32 : index
      %get3A_699 = tpu.vector_load %arg12[%get3A_696, %get3A_697, %get3A_698] {strides = array<i32>} : memref<3x256x128xf32, #tpu.memory_space<vmem>>, vector<1x1x16xf32>,
      %get3A_700 = vector.shape_cast %get3A_699 : vector<1x1x16xf32> to vector<16xf32>
      %mul3A_701 = arith.mulf %get3A_700, %get3A_700 : vector<16xf32>
      %add3A_702 = arith.addf %add3A_654, %mul3A_701 : vector<16xf32>
      %mul3A_703 = arith.constant 2 : i32
      %mul3A_704 = arith.muli %mul3A_703, %scan3A_567 : i32
      %add3A_705 = arith.constant 1 : i32
      %add3A_706 = arith.addi %mul3A_704, %add3A_705 : i32
      %get3A_707 = arith.constant 1 : i32
      %get3A_708 = arith.index_cast %get3A_707 : i32 to index
      %get3A_709 = arith.index_cast %add3A_706 : i32 to index
      %get3A_710 = arith.constant 48 : index
      %get3A_711 = tpu.vector_load %arg12[%get3A_708, %get3A_709, %get3A_710] {strides = array<i32>} : memref<3x256x128xf32, #tpu.memory_space<vmem>>, vector<1x1x16xf32>,
      %get3A_712 = vector.shape_cast %get3A_711 : vector<1x1x16xf32> to vector<16xf32>
      %mul3A_713 = arith.mulf %get3A_712, %get3A_712 : vector<16xf32>
      %add3A_714 = arith.addf %add3A_666, %mul3A_713 : vector<16xf32>
      %mul3A_715 = arith.constant 2 : i32
      %mul3A_716 = arith.muli %mul3A_715, %scan3A_567 : i32
      %add3A_717 = arith.constant 1 : i32
      %add3A_718 = arith.addi %mul3A_716, %add3A_717 : i32
      %get3A_719 = arith.constant 1 : i32
      %get3A_720 = arith.index_cast %get3A_719 : i32 to index
      %get3A_721 = arith.index_cast %add3A_718 : i32 to index
      %get3A_722 = arith.constant 64 : index
      %get3A_723 = tpu.vector_load %arg12[%get3A_720, %get3A_721, %get3A_722] {strides = array<i32>} : memref<3x256x128xf32, #tpu.memory_space<vmem>>, vector<1x1x16xf32>,
      %get3A_724 = vector.shape_cast %get3A_723 : vector<1x1x16xf32> to vector<16xf32>
      %mul3A_725 = arith.mulf %get3A_724, %get3A_724 : vector<16xf32>
      %add3A_726 = arith.addf %add3A_678, %mul3A_725 : vector<16xf32>
      %mul3A_727 = arith.constant 2 : i32
      %mul3A_728 = arith.muli %mul3A_727, %scan3A_567 : i32
      %add3A_729 = arith.constant 1 : i32
      %add3A_730 = arith.addi %mul3A_728, %add3A_729 : i32
      %get3A_731 = arith.constant 1 : i32
      %get3A_732 = arith.index_cast %get3A_731 : i32 to index
      %get3A_733 = arith.index_cast %add3A_730 : i32 to index
      %get3A_734 = arith.constant 80 : index
      %get3A_735 = tpu.vector_load %arg12[%get3A_732, %get3A_733, %get3A_734] {strides = array<i32>} : memref<3x256x128xf32, #tpu.memory_space<vmem>>, vector<1x1x16xf32>,
      %get3A_736 = vector.shape_cast %get3A_735 : vector<1x1x16xf32> to vector<16xf32>
      %mul3A_737 = arith.mulf %get3A_736, %get3A_736 : vector<16xf32>
      %add3A_738 = arith.addf %add3A_690, %mul3A_737 : vector<16xf32>
      %mul3A_739 = arith.constant 2 : i32
      %mul3A_740 = arith.muli %mul3A_739, %scan3A_567 : i32
      %add3A_741 = arith.constant 1 : i32
      %add3A_742 = arith.addi %mul3A_740, %add3A_741 : i32
      %get3A_743 = arith.constant 1 : i32
      %get3A_744 = arith.index_cast %get3A_743 : i32 to index
      %get3A_745 = arith.index_cast %add3A_742 : i32 to index
      %get3A_746 = arith.constant 96 : index
      %get3A_747 = tpu.vector_load %arg12[%get3A_744, %get3A_745, %get3A_746] {strides = array<i32>} : memref<3x256x128xf32, #tpu.memory_space<vmem>>, vector<1x1x16xf32>,
      %get3A_748 = vector.shape_cast %get3A_747 : vector<1x1x16xf32> to vector<16xf32>
      %mul3A_749 = arith.mulf %get3A_748, %get3A_748 : vector<16xf32>
      %add3A_750 = arith.addf %add3A_702, %mul3A_749 : vector<16xf32>
      %mul3A_751 = arith.constant 2 : i32
      %mul3A_752 = arith.muli %mul3A_751, %scan3A_567 : i32
      %add3A_753 = arith.constant 1 : i32
      %add3A_754 = arith.addi %mul3A_752, %add3A_753 : i32
      %get3A_755 = arith.constant 1 : i32
      %get3A_756 = arith.index_cast %get3A_755 : i32 to index
      %get3A_757 = arith.index_cast %add3A_754 : i32 to index
      %get3A_758 = arith.constant 112 : index
      %get3A_759 = tpu.vector_load %arg12[%get3A_756, %get3A_757, %get3A_758] {strides = array<i32>} : memref<3x256x128xf32, #tpu.memory_space<vmem>>, vector<1x1x16xf32>,
      %get3A_760 = vector.shape_cast %get3A_759 : vector<1x1x16xf32> to vector<16xf32>
      %mul3A_761 = arith.mulf %get3A_760, %get3A_760 : vector<16xf32>
      %add3A_762 = arith.addf %add3A_714, %mul3A_761 : vector<16xf32>
      scf.yield %add3A_726, %add3A_738, %add3A_750, %add3A_762 : vector<16xf32>, vector<16xf32>, vector<16xf32>, vector<16xf32>
    }
    %scan3A_257 = arith.constant 128 : i32
    %dma_wait3A_258 = arith.constant 1 : i32
    %dma_wait3A_259 = arith.constant 0 : i32
    %dma_wait3A_260 = arith.constant 0 : i32
    %dma_wait3A_261 = tpu.memref_slice %arg12[%dma_wait3A_258, %dma_wait3A_259, %dma_wait3A_260] : memref<3x256x128xf32, #tpu.memory_space<vmem>> -> memref<1x256x128xf32, #tpu.memory_space<vmem>>
    %dma_wait3A_262 = tpu.memref_squeeze %dma_wait3A_261 : memref<1x256x128xf32, #tpu.memory_space<vmem>> -> memref<256x128xf32, #tpu.memory_space<vmem>>
    %dma_wait3A_263 = arith.constant 0 : i32
    %dma_wait3A_264 = tpu.memref_slice %arg7[%add3A_214, %dma_wait3A_263] : memref<16384x128xf32, #tpu.memory_space<hbm>> -> memref<256x128xf32, #tpu.memory_space<hbm>>
    %dma_wait3A_265 = arith.constant 0 : i32
    %dma_wait3A_266 = tpu.memref_slice %arg7[%add3A_214, %dma_wait3A_265] : memref<16384x128xf32, #tpu.memory_space<hbm>> -> memref<256x128xf32, #tpu.memory_space<hbm>>
    %dma_wait3A_267 = arith.constant 0 : i32
    %dma_wait3A_268 = arith.constant 0 : i32
    %dma_wait3A_269 = tpu.memref_slice %arg12[%dma_wait3A_258, %dma_wait3A_267, %dma_wait3A_268] : memref<3x256x128xf32, #tpu.memory_space<vmem>> -> memref<1x256x128xf32, #tpu.memory_space<vmem>>
    %dma_wait3A_270 = tpu.memref_squeeze %dma_wait3A_269 : memref<1x256x128xf32, #tpu.memory_space<vmem>> -> memref<256x128xf32, #tpu.memory_space<vmem>>
    tpu.wait_dma2 semaphore(%arg19 : memref<!tpu.dma_semaphore, #tpu.memory_space<semaphore_mem>>) src(%dma_wait3A_270 : memref<256x128xf32, #tpu.memory_space<vmem>>) dst(%dma_wait3A_266 : memref<256x128xf32, #tpu.memory_space<hbm>>)
    %dma_wait3A_271 = arith.constant 8 : i32
    %dma_wait3A_272 = arith.constant 0 : i32
    %dma_wait3A_273 = tpu.memref_slice %arg11[%dma_wait3A_271, %dma_wait3A_272] : memref<12x128xi32, #tpu.memory_space<vmem>> -> memref<4x128xi32, #tpu.memory_space<vmem>>
    %dma_wait3A_274 = arith.constant 0 : i32
    %dma_wait3A_275 = tpu.memref_slice %arg6[%mul3A_4, %dma_wait3A_274] : memref<128x128xi32, #tpu.memory_space<hbm>> -> memref<4x128xi32, #tpu.memory_space<hbm>>
    %dma_wait3A_276 = arith.constant 8 : i32
    %dma_wait3A_277 = arith.constant 0 : i32
    %dma_wait3A_278 = tpu.memref_slice %arg11[%dma_wait3A_276, %dma_wait3A_277] : memref<12x128xi32, #tpu.memory_space<vmem>> -> memref<4x128xi32, #tpu.memory_space<vmem>>
    %dma_wait3A_279 = arith.constant 0 : i32
    %dma_wait3A_280 = tpu.memref_slice %arg6[%mul3A_4, %dma_wait3A_279] : memref<128x128xi32, #tpu.memory_space<hbm>> -> memref<4x128xi32, #tpu.memory_space<hbm>>
    tpu.wait_dma2 semaphore(%arg14 : memref<!tpu.dma_semaphore, #tpu.memory_space<semaphore_mem>>) src(%dma_wait3A_280 : memref<4x128xi32, #tpu.memory_space<hbm>>) dst(%dma_wait3A_278 : memref<4x128xi32, #tpu.memory_space<vmem>>)
    %dma_start3A_281 = arith.constant 8 : i32
    %dma_start3A_282 = arith.constant 1 : i32
    %dma_start3A_283 = arith.constant 0 : i32
    %dma_start3A_284 = arith.constant 0 : i32
    %dma_start3A_285 = tpu.memref_slice %arg12[%dma_start3A_282, %dma_start3A_283, %dma_start3A_284] : memref<3x256x128xf32, #tpu.memory_space<vmem>> -> memref<1x128x128xf32, #tpu.memory_space<vmem>>
    %dma_start3A_286 = tpu.memref_squeeze %dma_start3A_285 : memref<1x128x128xf32, #tpu.memory_space<vmem>> -> memref<128x128xf32, #tpu.memory_space<vmem>>
    %dma_start3A_287 = arith.constant 0 : i32
    %dma_start3A_288 = tpu.memref_slice %arg11[%dma_start3A_281, %dma_start3A_287] : memref<12x128xi32, #tpu.memory_space<vmem>> -> memref<1x128xi32, #tpu.memory_space<vmem>>
    %dma_start3A_289 = tpu.memref_squeeze %dma_start3A_288 : memref<1x128xi32, #tpu.memory_space<vmem>> -> memref<128xi32, #tpu.memory_space<vmem>>
    %dma_start3A_290 = arith.constant 0 : i32
    %dma_start3A_291 = arith.constant 0 : i32
    %dma_start3A_292 = tpu.memref_slice %arg3[%dma_start3A_290, %dma_start3A_291] : memref<100000x128xf32, #tpu.memory_space<hbm>> -> memref<100000x128xf32, #tpu.memory_space<hbm>>
    tpu.enqueue_indirect_dma source(%dma_start3A_292 : memref<100000x128xf32, #tpu.memory_space<hbm>>) target(%dma_start3A_286 : memref<128x128xf32, #tpu.memory_space<vmem>>) offsets(%dma_start3A_289 : memref<128xi32, #tpu.memory_space<vmem>>) semaphore(%arg16 : memref<!tpu.dma_semaphore, #tpu.memory_space<semaphore_mem>>)
    %dma_start3A_293 = arith.constant 9 : i32
    %dma_start3A_294 = arith.constant 1 : i32
    %dma_start3A_295 = arith.constant 128 : i32
    %dma_start3A_296 = arith.constant 0 : i32
    %dma_start3A_297 = tpu.memref_slice %arg12[%dma_start3A_294, %dma_start3A_295, %dma_start3A_296] : memref<3x256x128xf32, #tpu.memory_space<vmem>> -> memref<1x128x128xf32, #tpu.memory_space<vmem>>
    %dma_start3A_298 = tpu.memref_squeeze %dma_start3A_297 : memref<1x128x128xf32, #tpu.memory_space<vmem>> -> memref<128x128xf32, #tpu.memory_space<vmem>>
    %dma_start3A_299 = arith.constant 0 : i32
    %dma_start3A_300 = tpu.memref_slice %arg11[%dma_start3A_293, %dma_start3A_299] : memref<12x128xi32, #tpu.memory_space<vmem>> -> memref<1x128xi32, #tpu.memory_space<vmem>>
    %dma_start3A_301 = tpu.memref_squeeze %dma_start3A_300 : memref<1x128xi32, #tpu.memory_space<vmem>> -> memref<128xi32, #tpu.memory_space<vmem>>
    %dma_start3A_302 = arith.constant 0 : i32
    %dma_start3A_303 = arith.constant 0 : i32
    %dma_start3A_304 = tpu.memref_slice %arg3[%dma_start3A_302, %dma_start3A_303] : memref<100000x128xf32, #tpu.memory_space<hbm>> -> memref<100000x128xf32, #tpu.memory_space<hbm>>
    tpu.enqueue_indirect_dma source(%dma_start3A_304 : memref<100000x128xf32, #tpu.memory_space<hbm>>) target(%dma_start3A_298 : memref<128x128xf32, #tpu.memory_space<vmem>>) offsets(%dma_start3A_301 : memref<128xi32, #tpu.memory_space<vmem>>) semaphore(%arg16 : memref<!tpu.dma_semaphore, #tpu.memory_space<semaphore_mem>>)
    %add3A_305 = arith.constant 0 : i32
    %add3A_306 = arith.addi %mul3A_2, %add3A_305 : i32
    %dma_wait3A_307 = arith.constant 4 : i32
    %dma_wait3A_308 = arith.constant 2 : i32
    %dma_wait3A_309 = arith.constant 0 : i32
    %dma_wait3A_310 = arith.constant 0 : i32
    %dma_wait3A_311 = tpu.memref_slice %arg12[%dma_wait3A_308, %dma_wait3A_309, %dma_wait3A_310] : memref<3x256x128xf32, #tpu.memory_space<vmem>> -> memref<1x128x128xf32, #tpu.memory_space<vmem>>
    %dma_wait3A_312 = tpu.memref_squeeze %dma_wait3A_311 : memref<1x128x128xf32, #tpu.memory_space<vmem>> -> memref<128x128xf32, #tpu.memory_space<vmem>>
    %dma_wait3A_313 = arith.constant 0 : i32
    %dma_wait3A_314 = tpu.memref_slice %arg11[%dma_wait3A_307, %dma_wait3A_313] : memref<12x128xi32, #tpu.memory_space<vmem>> -> memref<1x128xi32, #tpu.memory_space<vmem>>
    %dma_wait3A_315 = tpu.memref_squeeze %dma_wait3A_314 : memref<1x128xi32, #tpu.memory_space<vmem>> -> memref<128xi32, #tpu.memory_space<vmem>>
    %dma_wait3A_316 = arith.constant 0 : i32
    %dma_wait3A_317 = arith.constant 0 : i32
    %dma_wait3A_318 = tpu.memref_slice %arg3[%dma_wait3A_316, %dma_wait3A_317] : memref<100000x128xf32, #tpu.memory_space<hbm>> -> memref<100000x128xf32, #tpu.memory_space<hbm>>
    tpu.wait_indirect_dma semaphore(%arg17 : memref<!tpu.dma_semaphore, #tpu.memory_space<semaphore_mem>>) src(%dma_wait3A_318 : memref<100000x128xf32, #tpu.memory_space<hbm>>) dst(%dma_wait3A_312 : memref<128x128xf32, #tpu.memory_space<vmem>>)
    %dma_wait3A_319 = arith.constant 5 : i32
    %dma_wait3A_320 = arith.constant 2 : i32
    %dma_wait3A_321 = arith.constant 128 : i32
    %dma_wait3A_322 = arith.constant 0 : i32
    %dma_wait3A_323 = tpu.memref_slice %arg12[%dma_wait3A_320, %dma_wait3A_321, %dma_wait3A_322] : memref<3x256x128xf32, #tpu.memory_space<vmem>> -> memref<1x128x128xf32, #tpu.memory_space<vmem>>
    %dma_wait3A_324 = tpu.memref_squeeze %dma_wait3A_323 : memref<1x128x128xf32, #tpu.memory_space<vmem>> -> memref<128x128xf32, #tpu.memory_space<vmem>>
    %dma_wait3A_325 = arith.constant 0 : i32
    %dma_wait3A_326 = tpu.memref_slice %arg11[%dma_wait3A_319, %dma_wait3A_325] : memref<12x128xi32, #tpu.memory_space<vmem>> -> memref<1x128xi32, #tpu.memory_space<vmem>>
    %dma_wait3A_327 = tpu.memref_squeeze %dma_wait3A_326 : memref<1x128xi32, #tpu.memory_space<vmem>> -> memref<128xi32, #tpu.memory_space<vmem>>
    %dma_wait3A_328 = arith.constant 0 : i32
    %dma_wait3A_329 = arith.constant 0 : i32
    %dma_wait3A_330 = tpu.memref_slice %arg3[%dma_wait3A_328, %dma_wait3A_329] : memref<100000x128xf32, #tpu.memory_space<hbm>> -> memref<100000x128xf32, #tpu.memory_space<hbm>>
    tpu.wait_indirect_dma semaphore(%arg17 : memref<!tpu.dma_semaphore, #tpu.memory_space<semaphore_mem>>) src(%dma_wait3A_330 : memref<100000x128xf32, #tpu.memory_space<hbm>>) dst(%dma_wait3A_324 : memref<128x128xf32, #tpu.memory_space<vmem>>)
    %dma_start3A_331 = arith.constant 2 : i32
    %dma_start3A_332 = arith.constant 0 : i32
    %dma_start3A_333 = arith.constant 0 : i32
    %dma_start3A_334 = tpu.memref_slice %arg12[%dma_start3A_331, %dma_start3A_332, %dma_start3A_333] : memref<3x256x128xf32, #tpu.memory_space<vmem>> -> memref<1x256x128xf32, #tpu.memory_space<vmem>>
    %dma_start3A_335 = tpu.memref_squeeze %dma_start3A_334 : memref<1x256x128xf32, #tpu.memory_space<vmem>> -> memref<256x128xf32, #tpu.memory_space<vmem>>
    %dma_start3A_336 = arith.constant 0 : i32
    %dma_start3A_337 = tpu.memref_slice %arg8[%add3A_306, %dma_start3A_336] : memref<16384x128xf32, #tpu.memory_space<hbm>> -> memref<256x128xf32, #tpu.memory_space<hbm>>
    %dma_start3A_338 = arith.constant 0 : i32
    %dma_start3A_339 = tpu.memref_slice %arg8[%add3A_306, %dma_start3A_338] : memref<16384x128xf32, #tpu.memory_space<hbm>> -> memref<256x128xf32, #tpu.memory_space<hbm>>
    %dma_start3A_340 = arith.constant 0 : i32
    %dma_start3A_341 = arith.constant 0 : i32
    %dma_start3A_342 = tpu.memref_slice %arg12[%dma_start3A_331, %dma_start3A_340, %dma_start3A_341] : memref<3x256x128xf32, #tpu.memory_space<vmem>> -> memref<1x256x128xf32, #tpu.memory_space<vmem>>
    %dma_start3A_343 = tpu.memref_squeeze %dma_start3A_342 : memref<1x256x128xf32, #tpu.memory_space<vmem>> -> memref<256x128xf32, #tpu.memory_space<vmem>>
    tpu.enqueue_dma source(%dma_start3A_343 : memref<256x128xf32, #tpu.memory_space<vmem>>) target(%dma_start3A_339 : memref<256x128xf32, #tpu.memory_space<hbm>>) target_semaphore(%arg20 : memref<!tpu.dma_semaphore, #tpu.memory_space<semaphore_mem>>)
    %scan3A_344 = arith.constant 0 : i32
    %scan3A_345 = arith.constant 128 : i32
    %scan3A_346 = arith.addi %scan3A_344, %scan3A_345 : i32
    %scan3A_347 = arith.constant 1 : i32
    %scan3A_348:4 = scf.for %scan3A_567 = %scan3A_344 to %scan3A_346 step %scan3A_347 iter_args(%scan3A_568 = %scan3A_256#0, %scan3A_569 = %scan3A_256#1, %scan3A_570 = %scan3A_256#2, %scan3A_571 = %scan3A_256#3) -> (vector<16xf32>, vector<16xf32>, vector<16xf32>, vector<16xf32>)  : i32 {
      %mul3A_572 = arith.constant 2 : i32
      %mul3A_573 = arith.muli %mul3A_572, %scan3A_567 : i32
      %add3A_574 = arith.constant 0 : i32
      %add3A_575 = arith.addi %mul3A_573, %add3A_574 : i32
      %get3A = arith.constant 2 : i32
      %get3A_576 = arith.index_cast %get3A : i32 to index
      %get3A_577 = arith.index_cast %add3A_575 : i32 to index
      %get3A_578 = arith.constant 0 : index
      %get3A_579 = tpu.vector_load %arg12[%get3A_576, %get3A_577, %get3A_578] {strides = array<i32>} : memref<3x256x128xf32, #tpu.memory_space<vmem>>, vector<1x1x16xf32>,
      %get3A_580 = vector.shape_cast %get3A_579 : vector<1x1x16xf32> to vector<16xf32>
      %mul3A_581 = arith.mulf %get3A_580, %get3A_580 : vector<16xf32>
      %add3A_582 = arith.addf %scan3A_568, %mul3A_581 : vector<16xf32>
      %mul3A_583 = arith.constant 2 : i32
      %mul3A_584 = arith.muli %mul3A_583, %scan3A_567 : i32
      %add3A_585 = arith.constant 0 : i32
      %add3A_586 = arith.addi %mul3A_584, %add3A_585 : i32
      %get3A_587 = arith.constant 2 : i32
      %get3A_588 = arith.index_cast %get3A_587 : i32 to index
      %get3A_589 = arith.index_cast %add3A_586 : i32 to index
      %get3A_590 = arith.constant 16 : index
      %get3A_591 = tpu.vector_load %arg12[%get3A_588, %get3A_589, %get3A_590] {strides = array<i32>} : memref<3x256x128xf32, #tpu.memory_space<vmem>>, vector<1x1x16xf32>,
      %get3A_592 = vector.shape_cast %get3A_591 : vector<1x1x16xf32> to vector<16xf32>
      %mul3A_593 = arith.mulf %get3A_592, %get3A_592 : vector<16xf32>
      %add3A_594 = arith.addf %scan3A_569, %mul3A_593 : vector<16xf32>
      %mul3A_595 = arith.constant 2 : i32
      %mul3A_596 = arith.muli %mul3A_595, %scan3A_567 : i32
      %add3A_597 = arith.constant 0 : i32
      %add3A_598 = arith.addi %mul3A_596, %add3A_597 : i32
      %get3A_599 = arith.constant 2 : i32
      %get3A_600 = arith.index_cast %get3A_599 : i32 to index
      %get3A_601 = arith.index_cast %add3A_598 : i32 to index
      %get3A_602 = arith.constant 32 : index
      %get3A_603 = tpu.vector_load %arg12[%get3A_600, %get3A_601, %get3A_602] {strides = array<i32>} : memref<3x256x128xf32, #tpu.memory_space<vmem>>, vector<1x1x16xf32>,
      %get3A_604 = vector.shape_cast %get3A_603 : vector<1x1x16xf32> to vector<16xf32>
      %mul3A_605 = arith.mulf %get3A_604, %get3A_604 : vector<16xf32>
      %add3A_606 = arith.addf %scan3A_570, %mul3A_605 : vector<16xf32>
      %mul3A_607 = arith.constant 2 : i32
      %mul3A_608 = arith.muli %mul3A_607, %scan3A_567 : i32
      %add3A_609 = arith.constant 0 : i32
      %add3A_610 = arith.addi %mul3A_608, %add3A_609 : i32
      %get3A_611 = arith.constant 2 : i32
      %get3A_612 = arith.index_cast %get3A_611 : i32 to index
      %get3A_613 = arith.index_cast %add3A_610 : i32 to index
      %get3A_614 = arith.constant 48 : index
      %get3A_615 = tpu.vector_load %arg12[%get3A_612, %get3A_613, %get3A_614] {strides = array<i32>} : memref<3x256x128xf32, #tpu.memory_space<vmem>>, vector<1x1x16xf32>,
      %get3A_616 = vector.shape_cast %get3A_615 : vector<1x1x16xf32> to vector<16xf32>
      %mul3A_617 = arith.mulf %get3A_616, %get3A_616 : vector<16xf32>
      %add3A_618 = arith.addf %scan3A_571, %mul3A_617 : vector<16xf32>
      %mul3A_619 = arith.constant 2 : i32
      %mul3A_620 = arith.muli %mul3A_619, %scan3A_567 : i32
      %add3A_621 = arith.constant 0 : i32
      %add3A_622 = arith.addi %mul3A_620, %add3A_621 : i32
      %get3A_623 = arith.constant 2 : i32
      %get3A_624 = arith.index_cast %get3A_623 : i32 to index
      %get3A_625 = arith.index_cast %add3A_622 : i32 to index
      %get3A_626 = arith.constant 64 : index
      %get3A_627 = tpu.vector_load %arg12[%get3A_624, %get3A_625, %get3A_626] {strides = array<i32>} : memref<3x256x128xf32, #tpu.memory_space<vmem>>, vector<1x1x16xf32>,
      %get3A_628 = vector.shape_cast %get3A_627 : vector<1x1x16xf32> to vector<16xf32>
      %mul3A_629 = arith.mulf %get3A_628, %get3A_628 : vector<16xf32>
      %add3A_630 = arith.addf %add3A_582, %mul3A_629 : vector<16xf32>
      %mul3A_631 = arith.constant 2 : i32
      %mul3A_632 = arith.muli %mul3A_631, %scan3A_567 : i32
      %add3A_633 = arith.constant 0 : i32
      %add3A_634 = arith.addi %mul3A_632, %add3A_633 : i32
      %get3A_635 = arith.constant 2 : i32
      %get3A_636 = arith.index_cast %get3A_635 : i32 to index
      %get3A_637 = arith.index_cast %add3A_634 : i32 to index
      %get3A_638 = arith.constant 80 : index
      %get3A_639 = tpu.vector_load %arg12[%get3A_636, %get3A_637, %get3A_638] {strides = array<i32>} : memref<3x256x128xf32, #tpu.memory_space<vmem>>, vector<1x1x16xf32>,
      %get3A_640 = vector.shape_cast %get3A_639 : vector<1x1x16xf32> to vector<16xf32>
      %mul3A_641 = arith.mulf %get3A_640, %get3A_640 : vector<16xf32>
      %add3A_642 = arith.addf %add3A_594, %mul3A_641 : vector<16xf32>
      %mul3A_643 = arith.constant 2 : i32
      %mul3A_644 = arith.muli %mul3A_643, %scan3A_567 : i32
      %add3A_645 = arith.constant 0 : i32
      %add3A_646 = arith.addi %mul3A_644, %add3A_645 : i32
      %get3A_647 = arith.constant 2 : i32
      %get3A_648 = arith.index_cast %get3A_647 : i32 to index
      %get3A_649 = arith.index_cast %add3A_646 : i32 to index
      %get3A_650 = arith.constant 96 : index
      %get3A_651 = tpu.vector_load %arg12[%get3A_648, %get3A_649, %get3A_650] {strides = array<i32>} : memref<3x256x128xf32, #tpu.memory_space<vmem>>, vector<1x1x16xf32>,
      %get3A_652 = vector.shape_cast %get3A_651 : vector<1x1x16xf32> to vector<16xf32>
      %mul3A_653 = arith.mulf %get3A_652, %get3A_652 : vector<16xf32>
      %add3A_654 = arith.addf %add3A_606, %mul3A_653 : vector<16xf32>
      %mul3A_655 = arith.constant 2 : i32
      %mul3A_656 = arith.muli %mul3A_655, %scan3A_567 : i32
      %add3A_657 = arith.constant 0 : i32
      %add3A_658 = arith.addi %mul3A_656, %add3A_657 : i32
      %get3A_659 = arith.constant 2 : i32
      %get3A_660 = arith.index_cast %get3A_659 : i32 to index
      %get3A_661 = arith.index_cast %add3A_658 : i32 to index
      %get3A_662 = arith.constant 112 : index
      %get3A_663 = tpu.vector_load %arg12[%get3A_660, %get3A_661, %get3A_662] {strides = array<i32>} : memref<3x256x128xf32, #tpu.memory_space<vmem>>, vector<1x1x16xf32>,
      %get3A_664 = vector.shape_cast %get3A_663 : vector<1x1x16xf32> to vector<16xf32>
      %mul3A_665 = arith.mulf %get3A_664, %get3A_664 : vector<16xf32>
      %add3A_666 = arith.addf %add3A_618, %mul3A_665 : vector<16xf32>
      %mul3A_667 = arith.constant 2 : i32
      %mul3A_668 = arith.muli %mul3A_667, %scan3A_567 : i32
      %add3A_669 = arith.constant 1 : i32
      %add3A_670 = arith.addi %mul3A_668, %add3A_669 : i32
      %get3A_671 = arith.constant 2 : i32
      %get3A_672 = arith.index_cast %get3A_671 : i32 to index
      %get3A_673 = arith.index_cast %add3A_670 : i32 to index
      %get3A_674 = arith.constant 0 : index
      %get3A_675 = tpu.vector_load %arg12[%get3A_672, %get3A_673, %get3A_674] {strides = array<i32>} : memref<3x256x128xf32, #tpu.memory_space<vmem>>, vector<1x1x16xf32>,
      %get3A_676 = vector.shape_cast %get3A_675 : vector<1x1x16xf32> to vector<16xf32>
      %mul3A_677 = arith.mulf %get3A_676, %get3A_676 : vector<16xf32>
      %add3A_678 = arith.addf %add3A_630, %mul3A_677 : vector<16xf32>
      %mul3A_679 = arith.constant 2 : i32
      %mul3A_680 = arith.muli %mul3A_679, %scan3A_567 : i32
      %add3A_681 = arith.constant 1 : i32
      %add3A_682 = arith.addi %mul3A_680, %add3A_681 : i32
      %get3A_683 = arith.constant 2 : i32
      %get3A_684 = arith.index_cast %get3A_683 : i32 to index
      %get3A_685 = arith.index_cast %add3A_682 : i32 to index
      %get3A_686 = arith.constant 16 : index
      %get3A_687 = tpu.vector_load %arg12[%get3A_684, %get3A_685, %get3A_686] {strides = array<i32>} : memref<3x256x128xf32, #tpu.memory_space<vmem>>, vector<1x1x16xf32>,
      %get3A_688 = vector.shape_cast %get3A_687 : vector<1x1x16xf32> to vector<16xf32>
      %mul3A_689 = arith.mulf %get3A_688, %get3A_688 : vector<16xf32>
      %add3A_690 = arith.addf %add3A_642, %mul3A_689 : vector<16xf32>
      %mul3A_691 = arith.constant 2 : i32
      %mul3A_692 = arith.muli %mul3A_691, %scan3A_567 : i32
      %add3A_693 = arith.constant 1 : i32
      %add3A_694 = arith.addi %mul3A_692, %add3A_693 : i32
      %get3A_695 = arith.constant 2 : i32
      %get3A_696 = arith.index_cast %get3A_695 : i32 to index
      %get3A_697 = arith.index_cast %add3A_694 : i32 to index
      %get3A_698 = arith.constant 32 : index
      %get3A_699 = tpu.vector_load %arg12[%get3A_696, %get3A_697, %get3A_698] {strides = array<i32>} : memref<3x256x128xf32, #tpu.memory_space<vmem>>, vector<1x1x16xf32>,
      %get3A_700 = vector.shape_cast %get3A_699 : vector<1x1x16xf32> to vector<16xf32>
      %mul3A_701 = arith.mulf %get3A_700, %get3A_700 : vector<16xf32>
      %add3A_702 = arith.addf %add3A_654, %mul3A_701 : vector<16xf32>
      %mul3A_703 = arith.constant 2 : i32
      %mul3A_704 = arith.muli %mul3A_703, %scan3A_567 : i32
      %add3A_705 = arith.constant 1 : i32
      %add3A_706 = arith.addi %mul3A_704, %add3A_705 : i32
      %get3A_707 = arith.constant 2 : i32
      %get3A_708 = arith.index_cast %get3A_707 : i32 to index
      %get3A_709 = arith.index_cast %add3A_706 : i32 to index
      %get3A_710 = arith.constant 48 : index
      %get3A_711 = tpu.vector_load %arg12[%get3A_708, %get3A_709, %get3A_710] {strides = array<i32>} : memref<3x256x128xf32, #tpu.memory_space<vmem>>, vector<1x1x16xf32>,
      %get3A_712 = vector.shape_cast %get3A_711 : vector<1x1x16xf32> to vector<16xf32>
      %mul3A_713 = arith.mulf %get3A_712, %get3A_712 : vector<16xf32>
      %add3A_714 = arith.addf %add3A_666, %mul3A_713 : vector<16xf32>
      %mul3A_715 = arith.constant 2 : i32
      %mul3A_716 = arith.muli %mul3A_715, %scan3A_567 : i32
      %add3A_717 = arith.constant 1 : i32
      %add3A_718 = arith.addi %mul3A_716, %add3A_717 : i32
      %get3A_719 = arith.constant 2 : i32
      %get3A_720 = arith.index_cast %get3A_719 : i32 to index
      %get3A_721 = arith.index_cast %add3A_718 : i32 to index
      %get3A_722 = arith.constant 64 : index
      %get3A_723 = tpu.vector_load %arg12[%get3A_720, %get3A_721, %get3A_722] {strides = array<i32>} : memref<3x256x128xf32, #tpu.memory_space<vmem>>, vector<1x1x16xf32>,
      %get3A_724 = vector.shape_cast %get3A_723 : vector<1x1x16xf32> to vector<16xf32>
      %mul3A_725 = arith.mulf %get3A_724, %get3A_724 : vector<16xf32>
      %add3A_726 = arith.addf %add3A_678, %mul3A_725 : vector<16xf32>
      %mul3A_727 = arith.constant 2 : i32
      %mul3A_728 = arith.muli %mul3A_727, %scan3A_567 : i32
      %add3A_729 = arith.constant 1 : i32
      %add3A_730 = arith.addi %mul3A_728, %add3A_729 : i32
      %get3A_731 = arith.constant 2 : i32
      %get3A_732 = arith.index_cast %get3A_731 : i32 to index
      %get3A_733 = arith.index_cast %add3A_730 : i32 to index
      %get3A_734 = arith.constant 80 : index
      %get3A_735 = tpu.vector_load %arg12[%get3A_732, %get3A_733, %get3A_734] {strides = array<i32>} : memref<3x256x128xf32, #tpu.memory_space<vmem>>, vector<1x1x16xf32>,
      %get3A_736 = vector.shape_cast %get3A_735 : vector<1x1x16xf32> to vector<16xf32>
      %mul3A_737 = arith.mulf %get3A_736, %get3A_736 : vector<16xf32>
      %add3A_738 = arith.addf %add3A_690, %mul3A_737 : vector<16xf32>
      %mul3A_739 = arith.constant 2 : i32
      %mul3A_740 = arith.muli %mul3A_739, %scan3A_567 : i32
      %add3A_741 = arith.constant 1 : i32
      %add3A_742 = arith.addi %mul3A_740, %add3A_741 : i32
      %get3A_743 = arith.constant 2 : i32
      %get3A_744 = arith.index_cast %get3A_743 : i32 to index
      %get3A_745 = arith.index_cast %add3A_742 : i32 to index
      %get3A_746 = arith.constant 96 : index
      %get3A_747 = tpu.vector_load %arg12[%get3A_744, %get3A_745, %get3A_746] {strides = array<i32>} : memref<3x256x128xf32, #tpu.memory_space<vmem>>, vector<1x1x16xf32>,
      %get3A_748 = vector.shape_cast %get3A_747 : vector<1x1x16xf32> to vector<16xf32>
      %mul3A_749 = arith.mulf %get3A_748, %get3A_748 : vector<16xf32>
      %add3A_750 = arith.addf %add3A_702, %mul3A_749 : vector<16xf32>
      %mul3A_751 = arith.constant 2 : i32
      %mul3A_752 = arith.muli %mul3A_751, %scan3A_567 : i32
      %add3A_753 = arith.constant 1 : i32
      %add3A_754 = arith.addi %mul3A_752, %add3A_753 : i32
      %get3A_755 = arith.constant 2 : i32
      %get3A_756 = arith.index_cast %get3A_755 : i32 to index
      %get3A_757 = arith.index_cast %add3A_754 : i32 to index
      %get3A_758 = arith.constant 112 : index
      %get3A_759 = tpu.vector_load %arg12[%get3A_756, %get3A_757, %get3A_758] {strides = array<i32>} : memref<3x256x128xf32, #tpu.memory_space<vmem>>, vector<1x1x16xf32>,
      %get3A_760 = vector.shape_cast %get3A_759 : vector<1x1x16xf32> to vector<16xf32>
      %mul3A_761 = arith.mulf %get3A_760, %get3A_760 : vector<16xf32>
      %add3A_762 = arith.addf %add3A_714, %mul3A_761 : vector<16xf32>
      scf.yield %add3A_726, %add3A_738, %add3A_750, %add3A_762 : vector<16xf32>, vector<16xf32>, vector<16xf32>, vector<16xf32>
    }
    %scan3A_349 = arith.constant 128 : i32
    %dma_wait3A_350 = arith.constant 2 : i32
    %dma_wait3A_351 = arith.constant 0 : i32
    %dma_wait3A_352 = arith.constant 0 : i32
    %dma_wait3A_353 = tpu.memref_slice %arg12[%dma_wait3A_350, %dma_wait3A_351, %dma_wait3A_352] : memref<3x256x128xf32, #tpu.memory_space<vmem>> -> memref<1x256x128xf32, #tpu.memory_space<vmem>>
    %dma_wait3A_354 = tpu.memref_squeeze %dma_wait3A_353 : memref<1x256x128xf32, #tpu.memory_space<vmem>> -> memref<256x128xf32, #tpu.memory_space<vmem>>
    %dma_wait3A_355 = arith.constant 0 : i32
    %dma_wait3A_356 = tpu.memref_slice %arg8[%add3A_306, %dma_wait3A_355] : memref<16384x128xf32, #tpu.memory_space<hbm>> -> memref<256x128xf32, #tpu.memory_space<hbm>>
    %dma_wait3A_357 = arith.constant 0 : i32
    %dma_wait3A_358 = tpu.memref_slice %arg8[%add3A_306, %dma_wait3A_357] : memref<16384x128xf32, #tpu.memory_space<hbm>> -> memref<256x128xf32, #tpu.memory_space<hbm>>
    %dma_wait3A_359 = arith.constant 0 : i32
    %dma_wait3A_360 = arith.constant 0 : i32
    %dma_wait3A_361 = tpu.memref_slice %arg12[%dma_wait3A_350, %dma_wait3A_359, %dma_wait3A_360] : memref<3x256x128xf32, #tpu.memory_space<vmem>> -> memref<1x256x128xf32, #tpu.memory_space<vmem>>
    %dma_wait3A_362 = tpu.memref_squeeze %dma_wait3A_361 : memref<1x256x128xf32, #tpu.memory_space<vmem>> -> memref<256x128xf32, #tpu.memory_space<vmem>>
    tpu.wait_dma2 semaphore(%arg20 : memref<!tpu.dma_semaphore, #tpu.memory_space<semaphore_mem>>) src(%dma_wait3A_362 : memref<256x128xf32, #tpu.memory_space<vmem>>) dst(%dma_wait3A_358 : memref<256x128xf32, #tpu.memory_space<hbm>>)
    %dma_start3A_363 = arith.constant 10 : i32
    %dma_start3A_364 = arith.constant 2 : i32
    %dma_start3A_365 = arith.constant 0 : i32
    %dma_start3A_366 = arith.constant 0 : i32
    %dma_start3A_367 = tpu.memref_slice %arg12[%dma_start3A_364, %dma_start3A_365, %dma_start3A_366] : memref<3x256x128xf32, #tpu.memory_space<vmem>> -> memref<1x128x128xf32, #tpu.memory_space<vmem>>
    %dma_start3A_368 = tpu.memref_squeeze %dma_start3A_367 : memref<1x128x128xf32, #tpu.memory_space<vmem>> -> memref<128x128xf32, #tpu.memory_space<vmem>>
    %dma_start3A_369 = arith.constant 0 : i32
    %dma_start3A_370 = tpu.memref_slice %arg11[%dma_start3A_363, %dma_start3A_369] : memref<12x128xi32, #tpu.memory_space<vmem>> -> memref<1x128xi32, #tpu.memory_space<vmem>>
    %dma_start3A_371 = tpu.memref_squeeze %dma_start3A_370 : memref<1x128xi32, #tpu.memory_space<vmem>> -> memref<128xi32, #tpu.memory_space<vmem>>
    %dma_start3A_372 = arith.constant 0 : i32
    %dma_start3A_373 = arith.constant 0 : i32
    %dma_start3A_374 = tpu.memref_slice %arg3[%dma_start3A_372, %dma_start3A_373] : memref<100000x128xf32, #tpu.memory_space<hbm>> -> memref<100000x128xf32, #tpu.memory_space<hbm>>
    tpu.enqueue_indirect_dma source(%dma_start3A_374 : memref<100000x128xf32, #tpu.memory_space<hbm>>) target(%dma_start3A_368 : memref<128x128xf32, #tpu.memory_space<vmem>>) offsets(%dma_start3A_371 : memref<128xi32, #tpu.memory_space<vmem>>) semaphore(%arg17 : memref<!tpu.dma_semaphore, #tpu.memory_space<semaphore_mem>>)
    %dma_start3A_375 = arith.constant 11 : i32
    %dma_start3A_376 = arith.constant 2 : i32
    %dma_start3A_377 = arith.constant 128 : i32
    %dma_start3A_378 = arith.constant 0 : i32
    %dma_start3A_379 = tpu.memref_slice %arg12[%dma_start3A_376, %dma_start3A_377, %dma_start3A_378] : memref<3x256x128xf32, #tpu.memory_space<vmem>> -> memref<1x128x128xf32, #tpu.memory_space<vmem>>
    %dma_start3A_380 = tpu.memref_squeeze %dma_start3A_379 : memref<1x128x128xf32, #tpu.memory_space<vmem>> -> memref<128x128xf32, #tpu.memory_space<vmem>>
    %dma_start3A_381 = arith.constant 0 : i32
    %dma_start3A_382 = tpu.memref_slice %arg11[%dma_start3A_375, %dma_start3A_381] : memref<12x128xi32, #tpu.memory_space<vmem>> -> memref<1x128xi32, #tpu.memory_space<vmem>>
    %dma_start3A_383 = tpu.memref_squeeze %dma_start3A_382 : memref<1x128xi32, #tpu.memory_space<vmem>> -> memref<128xi32, #tpu.memory_space<vmem>>
    %dma_start3A_384 = arith.constant 0 : i32
    %dma_start3A_385 = arith.constant 0 : i32
    %dma_start3A_386 = tpu.memref_slice %arg3[%dma_start3A_384, %dma_start3A_385] : memref<100000x128xf32, #tpu.memory_space<hbm>> -> memref<100000x128xf32, #tpu.memory_space<hbm>>
    tpu.enqueue_indirect_dma source(%dma_start3A_386 : memref<100000x128xf32, #tpu.memory_space<hbm>>) target(%dma_start3A_380 : memref<128x128xf32, #tpu.memory_space<vmem>>) offsets(%dma_start3A_383 : memref<128xi32, #tpu.memory_space<vmem>>) semaphore(%arg17 : memref<!tpu.dma_semaphore, #tpu.memory_space<semaphore_mem>>)
    %add3A_387 = arith.constant 256 : i32
    %add3A_388 = arith.addi %mul3A_2, %add3A_387 : i32
    %dma_wait3A_389 = arith.constant 6 : i32
    %dma_wait3A_390 = arith.constant 0 : i32
    %dma_wait3A_391 = arith.constant 0 : i32
    %dma_wait3A_392 = arith.constant 0 : i32
    %dma_wait3A_393 = tpu.memref_slice %arg12[%dma_wait3A_390, %dma_wait3A_391, %dma_wait3A_392] : memref<3x256x128xf32, #tpu.memory_space<vmem>> -> memref<1x128x128xf32, #tpu.memory_space<vmem>>
    %dma_wait3A_394 = tpu.memref_squeeze %dma_wait3A_393 : memref<1x128x128xf32, #tpu.memory_space<vmem>> -> memref<128x128xf32, #tpu.memory_space<vmem>>
    %dma_wait3A_395 = arith.constant 0 : i32
    %dma_wait3A_396 = tpu.memref_slice %arg11[%dma_wait3A_389, %dma_wait3A_395] : memref<12x128xi32, #tpu.memory_space<vmem>> -> memref<1x128xi32, #tpu.memory_space<vmem>>
    %dma_wait3A_397 = tpu.memref_squeeze %dma_wait3A_396 : memref<1x128xi32, #tpu.memory_space<vmem>> -> memref<128xi32, #tpu.memory_space<vmem>>
    %dma_wait3A_398 = arith.constant 0 : i32
    %dma_wait3A_399 = arith.constant 0 : i32
    %dma_wait3A_400 = tpu.memref_slice %arg3[%dma_wait3A_398, %dma_wait3A_399] : memref<100000x128xf32, #tpu.memory_space<hbm>> -> memref<100000x128xf32, #tpu.memory_space<hbm>>
    tpu.wait_indirect_dma semaphore(%arg15 : memref<!tpu.dma_semaphore, #tpu.memory_space<semaphore_mem>>) src(%dma_wait3A_400 : memref<100000x128xf32, #tpu.memory_space<hbm>>) dst(%dma_wait3A_394 : memref<128x128xf32, #tpu.memory_space<vmem>>)
    %dma_wait3A_401 = arith.constant 7 : i32
    %dma_wait3A_402 = arith.constant 0 : i32
    %dma_wait3A_403 = arith.constant 128 : i32
    %dma_wait3A_404 = arith.constant 0 : i32
    %dma_wait3A_405 = tpu.memref_slice %arg12[%dma_wait3A_402, %dma_wait3A_403, %dma_wait3A_404] : memref<3x256x128xf32, #tpu.memory_space<vmem>> -> memref<1x128x128xf32, #tpu.memory_space<vmem>>
    %dma_wait3A_406 = tpu.memref_squeeze %dma_wait3A_405 : memref<1x128x128xf32, #tpu.memory_space<vmem>> -> memref<128x128xf32, #tpu.memory_space<vmem>>
    %dma_wait3A_407 = arith.constant 0 : i32
    %dma_wait3A_408 = tpu.memref_slice %arg11[%dma_wait3A_401, %dma_wait3A_407] : memref<12x128xi32, #tpu.memory_space<vmem>> -> memref<1x128xi32, #tpu.memory_space<vmem>>
    %dma_wait3A_409 = tpu.memref_squeeze %dma_wait3A_408 : memref<1x128xi32, #tpu.memory_space<vmem>> -> memref<128xi32, #tpu.memory_space<vmem>>
    %dma_wait3A_410 = arith.constant 0 : i32
    %dma_wait3A_411 = arith.constant 0 : i32
    %dma_wait3A_412 = tpu.memref_slice %arg3[%dma_wait3A_410, %dma_wait3A_411] : memref<100000x128xf32, #tpu.memory_space<hbm>> -> memref<100000x128xf32, #tpu.memory_space<hbm>>
    tpu.wait_indirect_dma semaphore(%arg15 : memref<!tpu.dma_semaphore, #tpu.memory_space<semaphore_mem>>) src(%dma_wait3A_412 : memref<100000x128xf32, #tpu.memory_space<hbm>>) dst(%dma_wait3A_406 : memref<128x128xf32, #tpu.memory_space<vmem>>)
    %dma_start3A_413 = arith.constant 0 : i32
    %dma_start3A_414 = arith.constant 0 : i32
    %dma_start3A_415 = arith.constant 0 : i32
    %dma_start3A_416 = tpu.memref_slice %arg12[%dma_start3A_413, %dma_start3A_414, %dma_start3A_415] : memref<3x256x128xf32, #tpu.memory_space<vmem>> -> memref<1x256x128xf32, #tpu.memory_space<vmem>>
    %dma_start3A_417 = tpu.memref_squeeze %dma_start3A_416 : memref<1x256x128xf32, #tpu.memory_space<vmem>> -> memref<256x128xf32, #tpu.memory_space<vmem>>
    %dma_start3A_418 = arith.constant 0 : i32
    %dma_start3A_419 = tpu.memref_slice %arg8[%add3A_388, %dma_start3A_418] : memref<16384x128xf32, #tpu.memory_space<hbm>> -> memref<256x128xf32, #tpu.memory_space<hbm>>
    %dma_start3A_420 = arith.constant 0 : i32
    %dma_start3A_421 = tpu.memref_slice %arg8[%add3A_388, %dma_start3A_420] : memref<16384x128xf32, #tpu.memory_space<hbm>> -> memref<256x128xf32, #tpu.memory_space<hbm>>
    %dma_start3A_422 = arith.constant 0 : i32
    %dma_start3A_423 = arith.constant 0 : i32
    %dma_start3A_424 = tpu.memref_slice %arg12[%dma_start3A_413, %dma_start3A_422, %dma_start3A_423] : memref<3x256x128xf32, #tpu.memory_space<vmem>> -> memref<1x256x128xf32, #tpu.memory_space<vmem>>
    %dma_start3A_425 = tpu.memref_squeeze %dma_start3A_424 : memref<1x256x128xf32, #tpu.memory_space<vmem>> -> memref<256x128xf32, #tpu.memory_space<vmem>>
    tpu.enqueue_dma source(%dma_start3A_425 : memref<256x128xf32, #tpu.memory_space<vmem>>) target(%dma_start3A_421 : memref<256x128xf32, #tpu.memory_space<hbm>>) target_semaphore(%arg18 : memref<!tpu.dma_semaphore, #tpu.memory_space<semaphore_mem>>)
    %scan3A_426 = arith.constant 0 : i32
    %scan3A_427 = arith.constant 128 : i32
    %scan3A_428 = arith.addi %scan3A_426, %scan3A_427 : i32
    %scan3A_429 = arith.constant 1 : i32
    %scan3A_430:4 = scf.for %scan3A_567 = %scan3A_426 to %scan3A_428 step %scan3A_429 iter_args(%scan3A_568 = %scan3A_348#0, %scan3A_569 = %scan3A_348#1, %scan3A_570 = %scan3A_348#2, %scan3A_571 = %scan3A_348#3) -> (vector<16xf32>, vector<16xf32>, vector<16xf32>, vector<16xf32>)  : i32 {
      %mul3A_572 = arith.constant 2 : i32
      %mul3A_573 = arith.muli %mul3A_572, %scan3A_567 : i32
      %add3A_574 = arith.constant 0 : i32
      %add3A_575 = arith.addi %mul3A_573, %add3A_574 : i32
      %get3A = arith.constant 0 : i32
      %get3A_576 = arith.index_cast %get3A : i32 to index
      %get3A_577 = arith.index_cast %add3A_575 : i32 to index
      %get3A_578 = arith.constant 0 : index
      %get3A_579 = tpu.vector_load %arg12[%get3A_576, %get3A_577, %get3A_578] {strides = array<i32>} : memref<3x256x128xf32, #tpu.memory_space<vmem>>, vector<1x1x16xf32>,
      %get3A_580 = vector.shape_cast %get3A_579 : vector<1x1x16xf32> to vector<16xf32>
      %mul3A_581 = arith.mulf %get3A_580, %get3A_580 : vector<16xf32>
      %add3A_582 = arith.addf %scan3A_568, %mul3A_581 : vector<16xf32>
      %mul3A_583 = arith.constant 2 : i32
      %mul3A_584 = arith.muli %mul3A_583, %scan3A_567 : i32
      %add3A_585 = arith.constant 0 : i32
      %add3A_586 = arith.addi %mul3A_584, %add3A_585 : i32
      %get3A_587 = arith.constant 0 : i32
      %get3A_588 = arith.index_cast %get3A_587 : i32 to index
      %get3A_589 = arith.index_cast %add3A_586 : i32 to index
      %get3A_590 = arith.constant 16 : index
      %get3A_591 = tpu.vector_load %arg12[%get3A_588, %get3A_589, %get3A_590] {strides = array<i32>} : memref<3x256x128xf32, #tpu.memory_space<vmem>>, vector<1x1x16xf32>,
      %get3A_592 = vector.shape_cast %get3A_591 : vector<1x1x16xf32> to vector<16xf32>
      %mul3A_593 = arith.mulf %get3A_592, %get3A_592 : vector<16xf32>
      %add3A_594 = arith.addf %scan3A_569, %mul3A_593 : vector<16xf32>
      %mul3A_595 = arith.constant 2 : i32
      %mul3A_596 = arith.muli %mul3A_595, %scan3A_567 : i32
      %add3A_597 = arith.constant 0 : i32
      %add3A_598 = arith.addi %mul3A_596, %add3A_597 : i32
      %get3A_599 = arith.constant 0 : i32
      %get3A_600 = arith.index_cast %get3A_599 : i32 to index
      %get3A_601 = arith.index_cast %add3A_598 : i32 to index
      %get3A_602 = arith.constant 32 : index
      %get3A_603 = tpu.vector_load %arg12[%get3A_600, %get3A_601, %get3A_602] {strides = array<i32>} : memref<3x256x128xf32, #tpu.memory_space<vmem>>, vector<1x1x16xf32>,
      %get3A_604 = vector.shape_cast %get3A_603 : vector<1x1x16xf32> to vector<16xf32>
      %mul3A_605 = arith.mulf %get3A_604, %get3A_604 : vector<16xf32>
      %add3A_606 = arith.addf %scan3A_570, %mul3A_605 : vector<16xf32>
      %mul3A_607 = arith.constant 2 : i32
      %mul3A_608 = arith.muli %mul3A_607, %scan3A_567 : i32
      %add3A_609 = arith.constant 0 : i32
      %add3A_610 = arith.addi %mul3A_608, %add3A_609 : i32
      %get3A_611 = arith.constant 0 : i32
      %get3A_612 = arith.index_cast %get3A_611 : i32 to index
      %get3A_613 = arith.index_cast %add3A_610 : i32 to index
      %get3A_614 = arith.constant 48 : index
      %get3A_615 = tpu.vector_load %arg12[%get3A_612, %get3A_613, %get3A_614] {strides = array<i32>} : memref<3x256x128xf32, #tpu.memory_space<vmem>>, vector<1x1x16xf32>,
      %get3A_616 = vector.shape_cast %get3A_615 : vector<1x1x16xf32> to vector<16xf32>
      %mul3A_617 = arith.mulf %get3A_616, %get3A_616 : vector<16xf32>
      %add3A_618 = arith.addf %scan3A_571, %mul3A_617 : vector<16xf32>
      %mul3A_619 = arith.constant 2 : i32
      %mul3A_620 = arith.muli %mul3A_619, %scan3A_567 : i32
      %add3A_621 = arith.constant 0 : i32
      %add3A_622 = arith.addi %mul3A_620, %add3A_621 : i32
      %get3A_623 = arith.constant 0 : i32
      %get3A_624 = arith.index_cast %get3A_623 : i32 to index
      %get3A_625 = arith.index_cast %add3A_622 : i32 to index
      %get3A_626 = arith.constant 64 : index
      %get3A_627 = tpu.vector_load %arg12[%get3A_624, %get3A_625, %get3A_626] {strides = array<i32>} : memref<3x256x128xf32, #tpu.memory_space<vmem>>, vector<1x1x16xf32>,
      %get3A_628 = vector.shape_cast %get3A_627 : vector<1x1x16xf32> to vector<16xf32>
      %mul3A_629 = arith.mulf %get3A_628, %get3A_628 : vector<16xf32>
      %add3A_630 = arith.addf %add3A_582, %mul3A_629 : vector<16xf32>
      %mul3A_631 = arith.constant 2 : i32
      %mul3A_632 = arith.muli %mul3A_631, %scan3A_567 : i32
      %add3A_633 = arith.constant 0 : i32
      %add3A_634 = arith.addi %mul3A_632, %add3A_633 : i32
      %get3A_635 = arith.constant 0 : i32
      %get3A_636 = arith.index_cast %get3A_635 : i32 to index
      %get3A_637 = arith.index_cast %add3A_634 : i32 to index
      %get3A_638 = arith.constant 80 : index
      %get3A_639 = tpu.vector_load %arg12[%get3A_636, %get3A_637, %get3A_638] {strides = array<i32>} : memref<3x256x128xf32, #tpu.memory_space<vmem>>, vector<1x1x16xf32>,
      %get3A_640 = vector.shape_cast %get3A_639 : vector<1x1x16xf32> to vector<16xf32>
      %mul3A_641 = arith.mulf %get3A_640, %get3A_640 : vector<16xf32>
      %add3A_642 = arith.addf %add3A_594, %mul3A_641 : vector<16xf32>
      %mul3A_643 = arith.constant 2 : i32
      %mul3A_644 = arith.muli %mul3A_643, %scan3A_567 : i32
      %add3A_645 = arith.constant 0 : i32
      %add3A_646 = arith.addi %mul3A_644, %add3A_645 : i32
      %get3A_647 = arith.constant 0 : i32
      %get3A_648 = arith.index_cast %get3A_647 : i32 to index
      %get3A_649 = arith.index_cast %add3A_646 : i32 to index
      %get3A_650 = arith.constant 96 : index
      %get3A_651 = tpu.vector_load %arg12[%get3A_648, %get3A_649, %get3A_650] {strides = array<i32>} : memref<3x256x128xf32, #tpu.memory_space<vmem>>, vector<1x1x16xf32>,
      %get3A_652 = vector.shape_cast %get3A_651 : vector<1x1x16xf32> to vector<16xf32>
      %mul3A_653 = arith.mulf %get3A_652, %get3A_652 : vector<16xf32>
      %add3A_654 = arith.addf %add3A_606, %mul3A_653 : vector<16xf32>
      %mul3A_655 = arith.constant 2 : i32
      %mul3A_656 = arith.muli %mul3A_655, %scan3A_567 : i32
      %add3A_657 = arith.constant 0 : i32
      %add3A_658 = arith.addi %mul3A_656, %add3A_657 : i32
      %get3A_659 = arith.constant 0 : i32
      %get3A_660 = arith.index_cast %get3A_659 : i32 to index
      %get3A_661 = arith.index_cast %add3A_658 : i32 to index
      %get3A_662 = arith.constant 112 : index
      %get3A_663 = tpu.vector_load %arg12[%get3A_660, %get3A_661, %get3A_662] {strides = array<i32>} : memref<3x256x128xf32, #tpu.memory_space<vmem>>, vector<1x1x16xf32>,
      %get3A_664 = vector.shape_cast %get3A_663 : vector<1x1x16xf32> to vector<16xf32>
      %mul3A_665 = arith.mulf %get3A_664, %get3A_664 : vector<16xf32>
      %add3A_666 = arith.addf %add3A_618, %mul3A_665 : vector<16xf32>
      %mul3A_667 = arith.constant 2 : i32
      %mul3A_668 = arith.muli %mul3A_667, %scan3A_567 : i32
      %add3A_669 = arith.constant 1 : i32
      %add3A_670 = arith.addi %mul3A_668, %add3A_669 : i32
      %get3A_671 = arith.constant 0 : i32
      %get3A_672 = arith.index_cast %get3A_671 : i32 to index
      %get3A_673 = arith.index_cast %add3A_670 : i32 to index
      %get3A_674 = arith.constant 0 : index
      %get3A_675 = tpu.vector_load %arg12[%get3A_672, %get3A_673, %get3A_674] {strides = array<i32>} : memref<3x256x128xf32, #tpu.memory_space<vmem>>, vector<1x1x16xf32>,
      %get3A_676 = vector.shape_cast %get3A_675 : vector<1x1x16xf32> to vector<16xf32>
      %mul3A_677 = arith.mulf %get3A_676, %get3A_676 : vector<16xf32>
      %add3A_678 = arith.addf %add3A_630, %mul3A_677 : vector<16xf32>
      %mul3A_679 = arith.constant 2 : i32
      %mul3A_680 = arith.muli %mul3A_679, %scan3A_567 : i32
      %add3A_681 = arith.constant 1 : i32
      %add3A_682 = arith.addi %mul3A_680, %add3A_681 : i32
      %get3A_683 = arith.constant 0 : i32
      %get3A_684 = arith.index_cast %get3A_683 : i32 to index
      %get3A_685 = arith.index_cast %add3A_682 : i32 to index
      %get3A_686 = arith.constant 16 : index
      %get3A_687 = tpu.vector_load %arg12[%get3A_684, %get3A_685, %get3A_686] {strides = array<i32>} : memref<3x256x128xf32, #tpu.memory_space<vmem>>, vector<1x1x16xf32>,
      %get3A_688 = vector.shape_cast %get3A_687 : vector<1x1x16xf32> to vector<16xf32>
      %mul3A_689 = arith.mulf %get3A_688, %get3A_688 : vector<16xf32>
      %add3A_690 = arith.addf %add3A_642, %mul3A_689 : vector<16xf32>
      %mul3A_691 = arith.constant 2 : i32
      %mul3A_692 = arith.muli %mul3A_691, %scan3A_567 : i32
      %add3A_693 = arith.constant 1 : i32
      %add3A_694 = arith.addi %mul3A_692, %add3A_693 : i32
      %get3A_695 = arith.constant 0 : i32
      %get3A_696 = arith.index_cast %get3A_695 : i32 to index
      %get3A_697 = arith.index_cast %add3A_694 : i32 to index
      %get3A_698 = arith.constant 32 : index
      %get3A_699 = tpu.vector_load %arg12[%get3A_696, %get3A_697, %get3A_698] {strides = array<i32>} : memref<3x256x128xf32, #tpu.memory_space<vmem>>, vector<1x1x16xf32>,
      %get3A_700 = vector.shape_cast %get3A_699 : vector<1x1x16xf32> to vector<16xf32>
      %mul3A_701 = arith.mulf %get3A_700, %get3A_700 : vector<16xf32>
      %add3A_702 = arith.addf %add3A_654, %mul3A_701 : vector<16xf32>
      %mul3A_703 = arith.constant 2 : i32
      %mul3A_704 = arith.muli %mul3A_703, %scan3A_567 : i32
      %add3A_705 = arith.constant 1 : i32
      %add3A_706 = arith.addi %mul3A_704, %add3A_705 : i32
      %get3A_707 = arith.constant 0 : i32
      %get3A_708 = arith.index_cast %get3A_707 : i32 to index
      %get3A_709 = arith.index_cast %add3A_706 : i32 to index
      %get3A_710 = arith.constant 48 : index
      %get3A_711 = tpu.vector_load %arg12[%get3A_708, %get3A_709, %get3A_710] {strides = array<i32>} : memref<3x256x128xf32, #tpu.memory_space<vmem>>, vector<1x1x16xf32>,
      %get3A_712 = vector.shape_cast %get3A_711 : vector<1x1x16xf32> to vector<16xf32>
      %mul3A_713 = arith.mulf %get3A_712, %get3A_712 : vector<16xf32>
      %add3A_714 = arith.addf %add3A_666, %mul3A_713 : vector<16xf32>
      %mul3A_715 = arith.constant 2 : i32
      %mul3A_716 = arith.muli %mul3A_715, %scan3A_567 : i32
      %add3A_717 = arith.constant 1 : i32
      %add3A_718 = arith.addi %mul3A_716, %add3A_717 : i32
      %get3A_719 = arith.constant 0 : i32
      %get3A_720 = arith.index_cast %get3A_719 : i32 to index
      %get3A_721 = arith.index_cast %add3A_718 : i32 to index
      %get3A_722 = arith.constant 64 : index
      %get3A_723 = tpu.vector_load %arg12[%get3A_720, %get3A_721, %get3A_722] {strides = array<i32>} : memref<3x256x128xf32, #tpu.memory_space<vmem>>, vector<1x1x16xf32>,
      %get3A_724 = vector.shape_cast %get3A_723 : vector<1x1x16xf32> to vector<16xf32>
      %mul3A_725 = arith.mulf %get3A_724, %get3A_724 : vector<16xf32>
      %add3A_726 = arith.addf %add3A_678, %mul3A_725 : vector<16xf32>
      %mul3A_727 = arith.constant 2 : i32
      %mul3A_728 = arith.muli %mul3A_727, %scan3A_567 : i32
      %add3A_729 = arith.constant 1 : i32
      %add3A_730 = arith.addi %mul3A_728, %add3A_729 : i32
      %get3A_731 = arith.constant 0 : i32
      %get3A_732 = arith.index_cast %get3A_731 : i32 to index
      %get3A_733 = arith.index_cast %add3A_730 : i32 to index
      %get3A_734 = arith.constant 80 : index
      %get3A_735 = tpu.vector_load %arg12[%get3A_732, %get3A_733, %get3A_734] {strides = array<i32>} : memref<3x256x128xf32, #tpu.memory_space<vmem>>, vector<1x1x16xf32>,
      %get3A_736 = vector.shape_cast %get3A_735 : vector<1x1x16xf32> to vector<16xf32>
      %mul3A_737 = arith.mulf %get3A_736, %get3A_736 : vector<16xf32>
      %add3A_738 = arith.addf %add3A_690, %mul3A_737 : vector<16xf32>
      %mul3A_739 = arith.constant 2 : i32
      %mul3A_740 = arith.muli %mul3A_739, %scan3A_567 : i32
      %add3A_741 = arith.constant 1 : i32
      %add3A_742 = arith.addi %mul3A_740, %add3A_741 : i32
      %get3A_743 = arith.constant 0 : i32
      %get3A_744 = arith.index_cast %get3A_743 : i32 to index
      %get3A_745 = arith.index_cast %add3A_742 : i32 to index
      %get3A_746 = arith.constant 96 : index
      %get3A_747 = tpu.vector_load %arg12[%get3A_744, %get3A_745, %get3A_746] {strides = array<i32>} : memref<3x256x128xf32, #tpu.memory_space<vmem>>, vector<1x1x16xf32>,
      %get3A_748 = vector.shape_cast %get3A_747 : vector<1x1x16xf32> to vector<16xf32>
      %mul3A_749 = arith.mulf %get3A_748, %get3A_748 : vector<16xf32>
      %add3A_750 = arith.addf %add3A_702, %mul3A_749 : vector<16xf32>
      %mul3A_751 = arith.constant 2 : i32
      %mul3A_752 = arith.muli %mul3A_751, %scan3A_567 : i32
      %add3A_753 = arith.constant 1 : i32
      %add3A_754 = arith.addi %mul3A_752, %add3A_753 : i32
      %get3A_755 = arith.constant 0 : i32
      %get3A_756 = arith.index_cast %get3A_755 : i32 to index
      %get3A_757 = arith.index_cast %add3A_754 : i32 to index
      %get3A_758 = arith.constant 112 : index
      %get3A_759 = tpu.vector_load %arg12[%get3A_756, %get3A_757, %get3A_758] {strides = array<i32>} : memref<3x256x128xf32, #tpu.memory_space<vmem>>, vector<1x1x16xf32>,
      %get3A_760 = vector.shape_cast %get3A_759 : vector<1x1x16xf32> to vector<16xf32>
      %mul3A_761 = arith.mulf %get3A_760, %get3A_760 : vector<16xf32>
      %add3A_762 = arith.addf %add3A_714, %mul3A_761 : vector<16xf32>
      scf.yield %add3A_726, %add3A_738, %add3A_750, %add3A_762 : vector<16xf32>, vector<16xf32>, vector<16xf32>, vector<16xf32>
    }
    %scan3A_431 = arith.constant 128 : i32
    %dma_wait3A_432 = arith.constant 0 : i32
    %dma_wait3A_433 = arith.constant 0 : i32
    %dma_wait3A_434 = arith.constant 0 : i32
    %dma_wait3A_435 = tpu.memref_slice %arg12[%dma_wait3A_432, %dma_wait3A_433, %dma_wait3A_434] : memref<3x256x128xf32, #tpu.memory_space<vmem>> -> memref<1x256x128xf32, #tpu.memory_space<vmem>>
    %dma_wait3A_436 = tpu.memref_squeeze %dma_wait3A_435 : memref<1x256x128xf32, #tpu.memory_space<vmem>> -> memref<256x128xf32, #tpu.memory_space<vmem>>
    %dma_wait3A_437 = arith.constant 0 : i32
    %dma_wait3A_438 = tpu.memref_slice %arg8[%add3A_388, %dma_wait3A_437] : memref<16384x128xf32, #tpu.memory_space<hbm>> -> memref<256x128xf32, #tpu.memory_space<hbm>>
    %dma_wait3A_439 = arith.constant 0 : i32
    %dma_wait3A_440 = tpu.memref_slice %arg8[%add3A_388, %dma_wait3A_439] : memref<16384x128xf32, #tpu.memory_space<hbm>> -> memref<256x128xf32, #tpu.memory_space<hbm>>
    %dma_wait3A_441 = arith.constant 0 : i32
    %dma_wait3A_442 = arith.constant 0 : i32
    %dma_wait3A_443 = tpu.memref_slice %arg12[%dma_wait3A_432, %dma_wait3A_441, %dma_wait3A_442] : memref<3x256x128xf32, #tpu.memory_space<vmem>> -> memref<1x256x128xf32, #tpu.memory_space<vmem>>
    %dma_wait3A_444 = tpu.memref_squeeze %dma_wait3A_443 : memref<1x256x128xf32, #tpu.memory_space<vmem>> -> memref<256x128xf32, #tpu.memory_space<vmem>>
    tpu.wait_dma2 semaphore(%arg18 : memref<!tpu.dma_semaphore, #tpu.memory_space<semaphore_mem>>) src(%dma_wait3A_444 : memref<256x128xf32, #tpu.memory_space<vmem>>) dst(%dma_wait3A_440 : memref<256x128xf32, #tpu.memory_space<hbm>>)
    %add3A_445 = arith.constant 0 : i32
    %add3A_446 = arith.addi %mul3A_2, %add3A_445 : i32
    %dma_wait3A_447 = arith.constant 8 : i32
    %dma_wait3A_448 = arith.constant 1 : i32
    %dma_wait3A_449 = arith.constant 0 : i32
    %dma_wait3A_450 = arith.constant 0 : i32
    %dma_wait3A_451 = tpu.memref_slice %arg12[%dma_wait3A_448, %dma_wait3A_449, %dma_wait3A_450] : memref<3x256x128xf32, #tpu.memory_space<vmem>> -> memref<1x128x128xf32, #tpu.memory_space<vmem>>
    %dma_wait3A_452 = tpu.memref_squeeze %dma_wait3A_451 : memref<1x128x128xf32, #tpu.memory_space<vmem>> -> memref<128x128xf32, #tpu.memory_space<vmem>>
    %dma_wait3A_453 = arith.constant 0 : i32
    %dma_wait3A_454 = tpu.memref_slice %arg11[%dma_wait3A_447, %dma_wait3A_453] : memref<12x128xi32, #tpu.memory_space<vmem>> -> memref<1x128xi32, #tpu.memory_space<vmem>>
    %dma_wait3A_455 = tpu.memref_squeeze %dma_wait3A_454 : memref<1x128xi32, #tpu.memory_space<vmem>> -> memref<128xi32, #tpu.memory_space<vmem>>
    %dma_wait3A_456 = arith.constant 0 : i32
    %dma_wait3A_457 = arith.constant 0 : i32
    %dma_wait3A_458 = tpu.memref_slice %arg3[%dma_wait3A_456, %dma_wait3A_457] : memref<100000x128xf32, #tpu.memory_space<hbm>> -> memref<100000x128xf32, #tpu.memory_space<hbm>>
    tpu.wait_indirect_dma semaphore(%arg16 : memref<!tpu.dma_semaphore, #tpu.memory_space<semaphore_mem>>) src(%dma_wait3A_458 : memref<100000x128xf32, #tpu.memory_space<hbm>>) dst(%dma_wait3A_452 : memref<128x128xf32, #tpu.memory_space<vmem>>)
    %dma_wait3A_459 = arith.constant 9 : i32
    %dma_wait3A_460 = arith.constant 1 : i32
    %dma_wait3A_461 = arith.constant 128 : i32
    %dma_wait3A_462 = arith.constant 0 : i32
    %dma_wait3A_463 = tpu.memref_slice %arg12[%dma_wait3A_460, %dma_wait3A_461, %dma_wait3A_462] : memref<3x256x128xf32, #tpu.memory_space<vmem>> -> memref<1x128x128xf32, #tpu.memory_space<vmem>>
    %dma_wait3A_464 = tpu.memref_squeeze %dma_wait3A_463 : memref<1x128x128xf32, #tpu.memory_space<vmem>> -> memref<128x128xf32, #tpu.memory_space<vmem>>
    %dma_wait3A_465 = arith.constant 0 : i32
    %dma_wait3A_466 = tpu.memref_slice %arg11[%dma_wait3A_459, %dma_wait3A_465] : memref<12x128xi32, #tpu.memory_space<vmem>> -> memref<1x128xi32, #tpu.memory_space<vmem>>
    %dma_wait3A_467 = tpu.memref_squeeze %dma_wait3A_466 : memref<1x128xi32, #tpu.memory_space<vmem>> -> memref<128xi32, #tpu.memory_space<vmem>>
    %dma_wait3A_468 = arith.constant 0 : i32
    %dma_wait3A_469 = arith.constant 0 : i32
    %dma_wait3A_470 = tpu.memref_slice %arg3[%dma_wait3A_468, %dma_wait3A_469] : memref<100000x128xf32, #tpu.memory_space<hbm>> -> memref<100000x128xf32, #tpu.memory_space<hbm>>
    tpu.wait_indirect_dma semaphore(%arg16 : memref<!tpu.dma_semaphore, #tpu.memory_space<semaphore_mem>>) src(%dma_wait3A_470 : memref<100000x128xf32, #tpu.memory_space<hbm>>) dst(%dma_wait3A_464 : memref<128x128xf32, #tpu.memory_space<vmem>>)
    %dma_start3A_471 = arith.constant 1 : i32
    %dma_start3A_472 = arith.constant 0 : i32
    %dma_start3A_473 = arith.constant 0 : i32
    %dma_start3A_474 = tpu.memref_slice %arg12[%dma_start3A_471, %dma_start3A_472, %dma_start3A_473] : memref<3x256x128xf32, #tpu.memory_space<vmem>> -> memref<1x256x128xf32, #tpu.memory_space<vmem>>
    %dma_start3A_475 = tpu.memref_squeeze %dma_start3A_474 : memref<1x256x128xf32, #tpu.memory_space<vmem>> -> memref<256x128xf32, #tpu.memory_space<vmem>>
    %dma_start3A_476 = arith.constant 0 : i32
    %dma_start3A_477 = tpu.memref_slice %arg9[%add3A_446, %dma_start3A_476] : memref<16384x128xf32, #tpu.memory_space<hbm>> -> memref<256x128xf32, #tpu.memory_space<hbm>>
    %dma_start3A_478 = arith.constant 0 : i32
    %dma_start3A_479 = tpu.memref_slice %arg9[%add3A_446, %dma_start3A_478] : memref<16384x128xf32, #tpu.memory_space<hbm>> -> memref<256x128xf32, #tpu.memory_space<hbm>>
    %dma_start3A_480 = arith.constant 0 : i32
    %dma_start3A_481 = arith.constant 0 : i32
    %dma_start3A_482 = tpu.memref_slice %arg12[%dma_start3A_471, %dma_start3A_480, %dma_start3A_481] : memref<3x256x128xf32, #tpu.memory_space<vmem>> -> memref<1x256x128xf32, #tpu.memory_space<vmem>>
    %dma_start3A_483 = tpu.memref_squeeze %dma_start3A_482 : memref<1x256x128xf32, #tpu.memory_space<vmem>> -> memref<256x128xf32, #tpu.memory_space<vmem>>
    tpu.enqueue_dma source(%dma_start3A_483 : memref<256x128xf32, #tpu.memory_space<vmem>>) target(%dma_start3A_479 : memref<256x128xf32, #tpu.memory_space<hbm>>) target_semaphore(%arg19 : memref<!tpu.dma_semaphore, #tpu.memory_space<semaphore_mem>>)
    %scan3A_484 = arith.constant 0 : i32
    %scan3A_485 = arith.constant 128 : i32
    %scan3A_486 = arith.addi %scan3A_484, %scan3A_485 : i32
    %scan3A_487 = arith.constant 1 : i32
    %scan3A_488:4 = scf.for %scan3A_567 = %scan3A_484 to %scan3A_486 step %scan3A_487 iter_args(%scan3A_568 = %scan3A_430#0, %scan3A_569 = %scan3A_430#1, %scan3A_570 = %scan3A_430#2, %scan3A_571 = %scan3A_430#3) -> (vector<16xf32>, vector<16xf32>, vector<16xf32>, vector<16xf32>)  : i32 {
      %mul3A_572 = arith.constant 2 : i32
      %mul3A_573 = arith.muli %mul3A_572, %scan3A_567 : i32
      %add3A_574 = arith.constant 0 : i32
      %add3A_575 = arith.addi %mul3A_573, %add3A_574 : i32
      %get3A = arith.constant 1 : i32
      %get3A_576 = arith.index_cast %get3A : i32 to index
      %get3A_577 = arith.index_cast %add3A_575 : i32 to index
      %get3A_578 = arith.constant 0 : index
      %get3A_579 = tpu.vector_load %arg12[%get3A_576, %get3A_577, %get3A_578] {strides = array<i32>} : memref<3x256x128xf32, #tpu.memory_space<vmem>>, vector<1x1x16xf32>,
      %get3A_580 = vector.shape_cast %get3A_579 : vector<1x1x16xf32> to vector<16xf32>
      %mul3A_581 = arith.mulf %get3A_580, %get3A_580 : vector<16xf32>
      %add3A_582 = arith.addf %scan3A_568, %mul3A_581 : vector<16xf32>
      %mul3A_583 = arith.constant 2 : i32
      %mul3A_584 = arith.muli %mul3A_583, %scan3A_567 : i32
      %add3A_585 = arith.constant 0 : i32
      %add3A_586 = arith.addi %mul3A_584, %add3A_585 : i32
      %get3A_587 = arith.constant 1 : i32
      %get3A_588 = arith.index_cast %get3A_587 : i32 to index
      %get3A_589 = arith.index_cast %add3A_586 : i32 to index
      %get3A_590 = arith.constant 16 : index
      %get3A_591 = tpu.vector_load %arg12[%get3A_588, %get3A_589, %get3A_590] {strides = array<i32>} : memref<3x256x128xf32, #tpu.memory_space<vmem>>, vector<1x1x16xf32>,
      %get3A_592 = vector.shape_cast %get3A_591 : vector<1x1x16xf32> to vector<16xf32>
      %mul3A_593 = arith.mulf %get3A_592, %get3A_592 : vector<16xf32>
      %add3A_594 = arith.addf %scan3A_569, %mul3A_593 : vector<16xf32>
      %mul3A_595 = arith.constant 2 : i32
      %mul3A_596 = arith.muli %mul3A_595, %scan3A_567 : i32
      %add3A_597 = arith.constant 0 : i32
      %add3A_598 = arith.addi %mul3A_596, %add3A_597 : i32
      %get3A_599 = arith.constant 1 : i32
      %get3A_600 = arith.index_cast %get3A_599 : i32 to index
      %get3A_601 = arith.index_cast %add3A_598 : i32 to index
      %get3A_602 = arith.constant 32 : index
      %get3A_603 = tpu.vector_load %arg12[%get3A_600, %get3A_601, %get3A_602] {strides = array<i32>} : memref<3x256x128xf32, #tpu.memory_space<vmem>>, vector<1x1x16xf32>,
      %get3A_604 = vector.shape_cast %get3A_603 : vector<1x1x16xf32> to vector<16xf32>
      %mul3A_605 = arith.mulf %get3A_604, %get3A_604 : vector<16xf32>
      %add3A_606 = arith.addf %scan3A_570, %mul3A_605 : vector<16xf32>
      %mul3A_607 = arith.constant 2 : i32
      %mul3A_608 = arith.muli %mul3A_607, %scan3A_567 : i32
      %add3A_609 = arith.constant 0 : i32
      %add3A_610 = arith.addi %mul3A_608, %add3A_609 : i32
      %get3A_611 = arith.constant 1 : i32
      %get3A_612 = arith.index_cast %get3A_611 : i32 to index
      %get3A_613 = arith.index_cast %add3A_610 : i32 to index
      %get3A_614 = arith.constant 48 : index
      %get3A_615 = tpu.vector_load %arg12[%get3A_612, %get3A_613, %get3A_614] {strides = array<i32>} : memref<3x256x128xf32, #tpu.memory_space<vmem>>, vector<1x1x16xf32>,
      %get3A_616 = vector.shape_cast %get3A_615 : vector<1x1x16xf32> to vector<16xf32>
      %mul3A_617 = arith.mulf %get3A_616, %get3A_616 : vector<16xf32>
      %add3A_618 = arith.addf %scan3A_571, %mul3A_617 : vector<16xf32>
      %mul3A_619 = arith.constant 2 : i32
      %mul3A_620 = arith.muli %mul3A_619, %scan3A_567 : i32
      %add3A_621 = arith.constant 0 : i32
      %add3A_622 = arith.addi %mul3A_620, %add3A_621 : i32
      %get3A_623 = arith.constant 1 : i32
      %get3A_624 = arith.index_cast %get3A_623 : i32 to index
      %get3A_625 = arith.index_cast %add3A_622 : i32 to index
      %get3A_626 = arith.constant 64 : index
      %get3A_627 = tpu.vector_load %arg12[%get3A_624, %get3A_625, %get3A_626] {strides = array<i32>} : memref<3x256x128xf32, #tpu.memory_space<vmem>>, vector<1x1x16xf32>,
      %get3A_628 = vector.shape_cast %get3A_627 : vector<1x1x16xf32> to vector<16xf32>
      %mul3A_629 = arith.mulf %get3A_628, %get3A_628 : vector<16xf32>
      %add3A_630 = arith.addf %add3A_582, %mul3A_629 : vector<16xf32>
      %mul3A_631 = arith.constant 2 : i32
      %mul3A_632 = arith.muli %mul3A_631, %scan3A_567 : i32
      %add3A_633 = arith.constant 0 : i32
      %add3A_634 = arith.addi %mul3A_632, %add3A_633 : i32
      %get3A_635 = arith.constant 1 : i32
      %get3A_636 = arith.index_cast %get3A_635 : i32 to index
      %get3A_637 = arith.index_cast %add3A_634 : i32 to index
      %get3A_638 = arith.constant 80 : index
      %get3A_639 = tpu.vector_load %arg12[%get3A_636, %get3A_637, %get3A_638] {strides = array<i32>} : memref<3x256x128xf32, #tpu.memory_space<vmem>>, vector<1x1x16xf32>,
      %get3A_640 = vector.shape_cast %get3A_639 : vector<1x1x16xf32> to vector<16xf32>
      %mul3A_641 = arith.mulf %get3A_640, %get3A_640 : vector<16xf32>
      %add3A_642 = arith.addf %add3A_594, %mul3A_641 : vector<16xf32>
      %mul3A_643 = arith.constant 2 : i32
      %mul3A_644 = arith.muli %mul3A_643, %scan3A_567 : i32
      %add3A_645 = arith.constant 0 : i32
      %add3A_646 = arith.addi %mul3A_644, %add3A_645 : i32
      %get3A_647 = arith.constant 1 : i32
      %get3A_648 = arith.index_cast %get3A_647 : i32 to index
      %get3A_649 = arith.index_cast %add3A_646 : i32 to index
      %get3A_650 = arith.constant 96 : index
      %get3A_651 = tpu.vector_load %arg12[%get3A_648, %get3A_649, %get3A_650] {strides = array<i32>} : memref<3x256x128xf32, #tpu.memory_space<vmem>>, vector<1x1x16xf32>,
      %get3A_652 = vector.shape_cast %get3A_651 : vector<1x1x16xf32> to vector<16xf32>
      %mul3A_653 = arith.mulf %get3A_652, %get3A_652 : vector<16xf32>
      %add3A_654 = arith.addf %add3A_606, %mul3A_653 : vector<16xf32>
      %mul3A_655 = arith.constant 2 : i32
      %mul3A_656 = arith.muli %mul3A_655, %scan3A_567 : i32
      %add3A_657 = arith.constant 0 : i32
      %add3A_658 = arith.addi %mul3A_656, %add3A_657 : i32
      %get3A_659 = arith.constant 1 : i32
      %get3A_660 = arith.index_cast %get3A_659 : i32 to index
      %get3A_661 = arith.index_cast %add3A_658 : i32 to index
      %get3A_662 = arith.constant 112 : index
      %get3A_663 = tpu.vector_load %arg12[%get3A_660, %get3A_661, %get3A_662] {strides = array<i32>} : memref<3x256x128xf32, #tpu.memory_space<vmem>>, vector<1x1x16xf32>,
      %get3A_664 = vector.shape_cast %get3A_663 : vector<1x1x16xf32> to vector<16xf32>
      %mul3A_665 = arith.mulf %get3A_664, %get3A_664 : vector<16xf32>
      %add3A_666 = arith.addf %add3A_618, %mul3A_665 : vector<16xf32>
      %mul3A_667 = arith.constant 2 : i32
      %mul3A_668 = arith.muli %mul3A_667, %scan3A_567 : i32
      %add3A_669 = arith.constant 1 : i32
      %add3A_670 = arith.addi %mul3A_668, %add3A_669 : i32
      %get3A_671 = arith.constant 1 : i32
      %get3A_672 = arith.index_cast %get3A_671 : i32 to index
      %get3A_673 = arith.index_cast %add3A_670 : i32 to index
      %get3A_674 = arith.constant 0 : index
      %get3A_675 = tpu.vector_load %arg12[%get3A_672, %get3A_673, %get3A_674] {strides = array<i32>} : memref<3x256x128xf32, #tpu.memory_space<vmem>>, vector<1x1x16xf32>,
      %get3A_676 = vector.shape_cast %get3A_675 : vector<1x1x16xf32> to vector<16xf32>
      %mul3A_677 = arith.mulf %get3A_676, %get3A_676 : vector<16xf32>
      %add3A_678 = arith.addf %add3A_630, %mul3A_677 : vector<16xf32>
      %mul3A_679 = arith.constant 2 : i32
      %mul3A_680 = arith.muli %mul3A_679, %scan3A_567 : i32
      %add3A_681 = arith.constant 1 : i32
      %add3A_682 = arith.addi %mul3A_680, %add3A_681 : i32
      %get3A_683 = arith.constant 1 : i32
      %get3A_684 = arith.index_cast %get3A_683 : i32 to index
      %get3A_685 = arith.index_cast %add3A_682 : i32 to index
      %get3A_686 = arith.constant 16 : index
      %get3A_687 = tpu.vector_load %arg12[%get3A_684, %get3A_685, %get3A_686] {strides = array<i32>} : memref<3x256x128xf32, #tpu.memory_space<vmem>>, vector<1x1x16xf32>,
      %get3A_688 = vector.shape_cast %get3A_687 : vector<1x1x16xf32> to vector<16xf32>
      %mul3A_689 = arith.mulf %get3A_688, %get3A_688 : vector<16xf32>
      %add3A_690 = arith.addf %add3A_642, %mul3A_689 : vector<16xf32>
      %mul3A_691 = arith.constant 2 : i32
      %mul3A_692 = arith.muli %mul3A_691, %scan3A_567 : i32
      %add3A_693 = arith.constant 1 : i32
      %add3A_694 = arith.addi %mul3A_692, %add3A_693 : i32
      %get3A_695 = arith.constant 1 : i32
      %get3A_696 = arith.index_cast %get3A_695 : i32 to index
      %get3A_697 = arith.index_cast %add3A_694 : i32 to index
      %get3A_698 = arith.constant 32 : index
      %get3A_699 = tpu.vector_load %arg12[%get3A_696, %get3A_697, %get3A_698] {strides = array<i32>} : memref<3x256x128xf32, #tpu.memory_space<vmem>>, vector<1x1x16xf32>,
      %get3A_700 = vector.shape_cast %get3A_699 : vector<1x1x16xf32> to vector<16xf32>
      %mul3A_701 = arith.mulf %get3A_700, %get3A_700 : vector<16xf32>
      %add3A_702 = arith.addf %add3A_654, %mul3A_701 : vector<16xf32>
      %mul3A_703 = arith.constant 2 : i32
      %mul3A_704 = arith.muli %mul3A_703, %scan3A_567 : i32
      %add3A_705 = arith.constant 1 : i32
      %add3A_706 = arith.addi %mul3A_704, %add3A_705 : i32
      %get3A_707 = arith.constant 1 : i32
      %get3A_708 = arith.index_cast %get3A_707 : i32 to index
      %get3A_709 = arith.index_cast %add3A_706 : i32 to index
      %get3A_710 = arith.constant 48 : index
      %get3A_711 = tpu.vector_load %arg12[%get3A_708, %get3A_709, %get3A_710] {strides = array<i32>} : memref<3x256x128xf32, #tpu.memory_space<vmem>>, vector<1x1x16xf32>,
      %get3A_712 = vector.shape_cast %get3A_711 : vector<1x1x16xf32> to vector<16xf32>
      %mul3A_713 = arith.mulf %get3A_712, %get3A_712 : vector<16xf32>
      %add3A_714 = arith.addf %add3A_666, %mul3A_713 : vector<16xf32>
      %mul3A_715 = arith.constant 2 : i32
      %mul3A_716 = arith.muli %mul3A_715, %scan3A_567 : i32
      %add3A_717 = arith.constant 1 : i32
      %add3A_718 = arith.addi %mul3A_716, %add3A_717 : i32
      %get3A_719 = arith.constant 1 : i32
      %get3A_720 = arith.index_cast %get3A_719 : i32 to index
      %get3A_721 = arith.index_cast %add3A_718 : i32 to index
      %get3A_722 = arith.constant 64 : index
      %get3A_723 = tpu.vector_load %arg12[%get3A_720, %get3A_721, %get3A_722] {strides = array<i32>} : memref<3x256x128xf32, #tpu.memory_space<vmem>>, vector<1x1x16xf32>,
      %get3A_724 = vector.shape_cast %get3A_723 : vector<1x1x16xf32> to vector<16xf32>
      %mul3A_725 = arith.mulf %get3A_724, %get3A_724 : vector<16xf32>
      %add3A_726 = arith.addf %add3A_678, %mul3A_725 : vector<16xf32>
      %mul3A_727 = arith.constant 2 : i32
      %mul3A_728 = arith.muli %mul3A_727, %scan3A_567 : i32
      %add3A_729 = arith.constant 1 : i32
      %add3A_730 = arith.addi %mul3A_728, %add3A_729 : i32
      %get3A_731 = arith.constant 1 : i32
      %get3A_732 = arith.index_cast %get3A_731 : i32 to index
      %get3A_733 = arith.index_cast %add3A_730 : i32 to index
      %get3A_734 = arith.constant 80 : index
      %get3A_735 = tpu.vector_load %arg12[%get3A_732, %get3A_733, %get3A_734] {strides = array<i32>} : memref<3x256x128xf32, #tpu.memory_space<vmem>>, vector<1x1x16xf32>,
      %get3A_736 = vector.shape_cast %get3A_735 : vector<1x1x16xf32> to vector<16xf32>
      %mul3A_737 = arith.mulf %get3A_736, %get3A_736 : vector<16xf32>
      %add3A_738 = arith.addf %add3A_690, %mul3A_737 : vector<16xf32>
      %mul3A_739 = arith.constant 2 : i32
      %mul3A_740 = arith.muli %mul3A_739, %scan3A_567 : i32
      %add3A_741 = arith.constant 1 : i32
      %add3A_742 = arith.addi %mul3A_740, %add3A_741 : i32
      %get3A_743 = arith.constant 1 : i32
      %get3A_744 = arith.index_cast %get3A_743 : i32 to index
      %get3A_745 = arith.index_cast %add3A_742 : i32 to index
      %get3A_746 = arith.constant 96 : index
      %get3A_747 = tpu.vector_load %arg12[%get3A_744, %get3A_745, %get3A_746] {strides = array<i32>} : memref<3x256x128xf32, #tpu.memory_space<vmem>>, vector<1x1x16xf32>,
      %get3A_748 = vector.shape_cast %get3A_747 : vector<1x1x16xf32> to vector<16xf32>
      %mul3A_749 = arith.mulf %get3A_748, %get3A_748 : vector<16xf32>
      %add3A_750 = arith.addf %add3A_702, %mul3A_749 : vector<16xf32>
      %mul3A_751 = arith.constant 2 : i32
      %mul3A_752 = arith.muli %mul3A_751, %scan3A_567 : i32
      %add3A_753 = arith.constant 1 : i32
      %add3A_754 = arith.addi %mul3A_752, %add3A_753 : i32
      %get3A_755 = arith.constant 1 : i32
      %get3A_756 = arith.index_cast %get3A_755 : i32 to index
      %get3A_757 = arith.index_cast %add3A_754 : i32 to index
      %get3A_758 = arith.constant 112 : index
      %get3A_759 = tpu.vector_load %arg12[%get3A_756, %get3A_757, %get3A_758] {strides = array<i32>} : memref<3x256x128xf32, #tpu.memory_space<vmem>>, vector<1x1x16xf32>,
      %get3A_760 = vector.shape_cast %get3A_759 : vector<1x1x16xf32> to vector<16xf32>
      %mul3A_761 = arith.mulf %get3A_760, %get3A_760 : vector<16xf32>
      %add3A_762 = arith.addf %add3A_714, %mul3A_761 : vector<16xf32>
      scf.yield %add3A_726, %add3A_738, %add3A_750, %add3A_762 : vector<16xf32>, vector<16xf32>, vector<16xf32>, vector<16xf32>
    }
    %scan3A_489 = arith.constant 128 : i32
    %dma_wait3A_490 = arith.constant 1 : i32
    %dma_wait3A_491 = arith.constant 0 : i32
    %dma_wait3A_492 = arith.constant 0 : i32
    %dma_wait3A_493 = tpu.memref_slice %arg12[%dma_wait3A_490, %dma_wait3A_491, %dma_wait3A_492] : memref<3x256x128xf32, #tpu.memory_space<vmem>> -> memref<1x256x128xf32, #tpu.memory_space<vmem>>
    %dma_wait3A_494 = tpu.memref_squeeze %dma_wait3A_493 : memref<1x256x128xf32, #tpu.memory_space<vmem>> -> memref<256x128xf32, #tpu.memory_space<vmem>>
    %dma_wait3A_495 = arith.constant 0 : i32
    %dma_wait3A_496 = tpu.memref_slice %arg9[%add3A_446, %dma_wait3A_495] : memref<16384x128xf32, #tpu.memory_space<hbm>> -> memref<256x128xf32, #tpu.memory_space<hbm>>
    %dma_wait3A_497 = arith.constant 0 : i32
    %dma_wait3A_498 = tpu.memref_slice %arg9[%add3A_446, %dma_wait3A_497] : memref<16384x128xf32, #tpu.memory_space<hbm>> -> memref<256x128xf32, #tpu.memory_space<hbm>>
    %dma_wait3A_499 = arith.constant 0 : i32
    %dma_wait3A_500 = arith.constant 0 : i32
    %dma_wait3A_501 = tpu.memref_slice %arg12[%dma_wait3A_490, %dma_wait3A_499, %dma_wait3A_500] : memref<3x256x128xf32, #tpu.memory_space<vmem>> -> memref<1x256x128xf32, #tpu.memory_space<vmem>>
    %dma_wait3A_502 = tpu.memref_squeeze %dma_wait3A_501 : memref<1x256x128xf32, #tpu.memory_space<vmem>> -> memref<256x128xf32, #tpu.memory_space<vmem>>
    tpu.wait_dma2 semaphore(%arg19 : memref<!tpu.dma_semaphore, #tpu.memory_space<semaphore_mem>>) src(%dma_wait3A_502 : memref<256x128xf32, #tpu.memory_space<vmem>>) dst(%dma_wait3A_498 : memref<256x128xf32, #tpu.memory_space<hbm>>)
    %add3A_503 = arith.constant 256 : i32
    %add3A_504 = arith.addi %mul3A_2, %add3A_503 : i32
    %dma_wait3A_505 = arith.constant 10 : i32
    %dma_wait3A_506 = arith.constant 2 : i32
    %dma_wait3A_507 = arith.constant 0 : i32
    %dma_wait3A_508 = arith.constant 0 : i32
    %dma_wait3A_509 = tpu.memref_slice %arg12[%dma_wait3A_506, %dma_wait3A_507, %dma_wait3A_508] : memref<3x256x128xf32, #tpu.memory_space<vmem>> -> memref<1x128x128xf32, #tpu.memory_space<vmem>>
    %dma_wait3A_510 = tpu.memref_squeeze %dma_wait3A_509 : memref<1x128x128xf32, #tpu.memory_space<vmem>> -> memref<128x128xf32, #tpu.memory_space<vmem>>
    %dma_wait3A_511 = arith.constant 0 : i32
    %dma_wait3A_512 = tpu.memref_slice %arg11[%dma_wait3A_505, %dma_wait3A_511] : memref<12x128xi32, #tpu.memory_space<vmem>> -> memref<1x128xi32, #tpu.memory_space<vmem>>
    %dma_wait3A_513 = tpu.memref_squeeze %dma_wait3A_512 : memref<1x128xi32, #tpu.memory_space<vmem>> -> memref<128xi32, #tpu.memory_space<vmem>>
    %dma_wait3A_514 = arith.constant 0 : i32
    %dma_wait3A_515 = arith.constant 0 : i32
    %dma_wait3A_516 = tpu.memref_slice %arg3[%dma_wait3A_514, %dma_wait3A_515] : memref<100000x128xf32, #tpu.memory_space<hbm>> -> memref<100000x128xf32, #tpu.memory_space<hbm>>
    tpu.wait_indirect_dma semaphore(%arg17 : memref<!tpu.dma_semaphore, #tpu.memory_space<semaphore_mem>>) src(%dma_wait3A_516 : memref<100000x128xf32, #tpu.memory_space<hbm>>) dst(%dma_wait3A_510 : memref<128x128xf32, #tpu.memory_space<vmem>>)
    %dma_wait3A_517 = arith.constant 11 : i32
    %dma_wait3A_518 = arith.constant 2 : i32
    %dma_wait3A_519 = arith.constant 128 : i32
    %dma_wait3A_520 = arith.constant 0 : i32
    %dma_wait3A_521 = tpu.memref_slice %arg12[%dma_wait3A_518, %dma_wait3A_519, %dma_wait3A_520] : memref<3x256x128xf32, #tpu.memory_space<vmem>> -> memref<1x128x128xf32, #tpu.memory_space<vmem>>
    %dma_wait3A_522 = tpu.memref_squeeze %dma_wait3A_521 : memref<1x128x128xf32, #tpu.memory_space<vmem>> -> memref<128x128xf32, #tpu.memory_space<vmem>>
    %dma_wait3A_523 = arith.constant 0 : i32
    %dma_wait3A_524 = tpu.memref_slice %arg11[%dma_wait3A_517, %dma_wait3A_523] : memref<12x128xi32, #tpu.memory_space<vmem>> -> memref<1x128xi32, #tpu.memory_space<vmem>>
    %dma_wait3A_525 = tpu.memref_squeeze %dma_wait3A_524 : memref<1x128xi32, #tpu.memory_space<vmem>> -> memref<128xi32, #tpu.memory_space<vmem>>
    %dma_wait3A_526 = arith.constant 0 : i32
    %dma_wait3A_527 = arith.constant 0 : i32
    %dma_wait3A_528 = tpu.memref_slice %arg3[%dma_wait3A_526, %dma_wait3A_527] : memref<100000x128xf32, #tpu.memory_space<hbm>> -> memref<100000x128xf32, #tpu.memory_space<hbm>>
    tpu.wait_indirect_dma semaphore(%arg17 : memref<!tpu.dma_semaphore, #tpu.memory_space<semaphore_mem>>) src(%dma_wait3A_528 : memref<100000x128xf32, #tpu.memory_space<hbm>>) dst(%dma_wait3A_522 : memref<128x128xf32, #tpu.memory_space<vmem>>)
    %dma_start3A_529 = arith.constant 2 : i32
    %dma_start3A_530 = arith.constant 0 : i32
    %dma_start3A_531 = arith.constant 0 : i32
    %dma_start3A_532 = tpu.memref_slice %arg12[%dma_start3A_529, %dma_start3A_530, %dma_start3A_531] : memref<3x256x128xf32, #tpu.memory_space<vmem>> -> memref<1x256x128xf32, #tpu.memory_space<vmem>>
    %dma_start3A_533 = tpu.memref_squeeze %dma_start3A_532 : memref<1x256x128xf32, #tpu.memory_space<vmem>> -> memref<256x128xf32, #tpu.memory_space<vmem>>
    %dma_start3A_534 = arith.constant 0 : i32
    %dma_start3A_535 = tpu.memref_slice %arg9[%add3A_504, %dma_start3A_534] : memref<16384x128xf32, #tpu.memory_space<hbm>> -> memref<256x128xf32, #tpu.memory_space<hbm>>
    %dma_start3A_536 = arith.constant 0 : i32
    %dma_start3A_537 = tpu.memref_slice %arg9[%add3A_504, %dma_start3A_536] : memref<16384x128xf32, #tpu.memory_space<hbm>> -> memref<256x128xf32, #tpu.memory_space<hbm>>
    %dma_start3A_538 = arith.constant 0 : i32
    %dma_start3A_539 = arith.constant 0 : i32
    %dma_start3A_540 = tpu.memref_slice %arg12[%dma_start3A_529, %dma_start3A_538, %dma_start3A_539] : memref<3x256x128xf32, #tpu.memory_space<vmem>> -> memref<1x256x128xf32, #tpu.memory_space<vmem>>
    %dma_start3A_541 = tpu.memref_squeeze %dma_start3A_540 : memref<1x256x128xf32, #tpu.memory_space<vmem>> -> memref<256x128xf32, #tpu.memory_space<vmem>>
    tpu.enqueue_dma source(%dma_start3A_541 : memref<256x128xf32, #tpu.memory_space<vmem>>) target(%dma_start3A_537 : memref<256x128xf32, #tpu.memory_space<hbm>>) target_semaphore(%arg20 : memref<!tpu.dma_semaphore, #tpu.memory_space<semaphore_mem>>)
    %scan3A_542 = arith.constant 0 : i32
    %scan3A_543 = arith.constant 128 : i32
    %scan3A_544 = arith.addi %scan3A_542, %scan3A_543 : i32
    %scan3A_545 = arith.constant 1 : i32
    %scan3A_546:4 = scf.for %scan3A_567 = %scan3A_542 to %scan3A_544 step %scan3A_545 iter_args(%scan3A_568 = %scan3A_488#0, %scan3A_569 = %scan3A_488#1, %scan3A_570 = %scan3A_488#2, %scan3A_571 = %scan3A_488#3) -> (vector<16xf32>, vector<16xf32>, vector<16xf32>, vector<16xf32>)  : i32 {
      %mul3A_572 = arith.constant 2 : i32
      %mul3A_573 = arith.muli %mul3A_572, %scan3A_567 : i32
      %add3A_574 = arith.constant 0 : i32
      %add3A_575 = arith.addi %mul3A_573, %add3A_574 : i32
      %get3A = arith.constant 2 : i32
      %get3A_576 = arith.index_cast %get3A : i32 to index
      %get3A_577 = arith.index_cast %add3A_575 : i32 to index
      %get3A_578 = arith.constant 0 : index
      %get3A_579 = tpu.vector_load %arg12[%get3A_576, %get3A_577, %get3A_578] {strides = array<i32>} : memref<3x256x128xf32, #tpu.memory_space<vmem>>, vector<1x1x16xf32>,
      %get3A_580 = vector.shape_cast %get3A_579 : vector<1x1x16xf32> to vector<16xf32>
      %mul3A_581 = arith.mulf %get3A_580, %get3A_580 : vector<16xf32>
      %add3A_582 = arith.addf %scan3A_568, %mul3A_581 : vector<16xf32>
      %mul3A_583 = arith.constant 2 : i32
      %mul3A_584 = arith.muli %mul3A_583, %scan3A_567 : i32
      %add3A_585 = arith.constant 0 : i32
      %add3A_586 = arith.addi %mul3A_584, %add3A_585 : i32
      %get3A_587 = arith.constant 2 : i32
      %get3A_588 = arith.index_cast %get3A_587 : i32 to index
      %get3A_589 = arith.index_cast %add3A_586 : i32 to index
      %get3A_590 = arith.constant 16 : index
      %get3A_591 = tpu.vector_load %arg12[%get3A_588, %get3A_589, %get3A_590] {strides = array<i32>} : memref<3x256x128xf32, #tpu.memory_space<vmem>>, vector<1x1x16xf32>,
      %get3A_592 = vector.shape_cast %get3A_591 : vector<1x1x16xf32> to vector<16xf32>
      %mul3A_593 = arith.mulf %get3A_592, %get3A_592 : vector<16xf32>
      %add3A_594 = arith.addf %scan3A_569, %mul3A_593 : vector<16xf32>
      %mul3A_595 = arith.constant 2 : i32
      %mul3A_596 = arith.muli %mul3A_595, %scan3A_567 : i32
      %add3A_597 = arith.constant 0 : i32
      %add3A_598 = arith.addi %mul3A_596, %add3A_597 : i32
      %get3A_599 = arith.constant 2 : i32
      %get3A_600 = arith.index_cast %get3A_599 : i32 to index
      %get3A_601 = arith.index_cast %add3A_598 : i32 to index
      %get3A_602 = arith.constant 32 : index
      %get3A_603 = tpu.vector_load %arg12[%get3A_600, %get3A_601, %get3A_602] {strides = array<i32>} : memref<3x256x128xf32, #tpu.memory_space<vmem>>, vector<1x1x16xf32>,
      %get3A_604 = vector.shape_cast %get3A_603 : vector<1x1x16xf32> to vector<16xf32>
      %mul3A_605 = arith.mulf %get3A_604, %get3A_604 : vector<16xf32>
      %add3A_606 = arith.addf %scan3A_570, %mul3A_605 : vector<16xf32>
      %mul3A_607 = arith.constant 2 : i32
      %mul3A_608 = arith.muli %mul3A_607, %scan3A_567 : i32
      %add3A_609 = arith.constant 0 : i32
      %add3A_610 = arith.addi %mul3A_608, %add3A_609 : i32
      %get3A_611 = arith.constant 2 : i32
      %get3A_612 = arith.index_cast %get3A_611 : i32 to index
      %get3A_613 = arith.index_cast %add3A_610 : i32 to index
      %get3A_614 = arith.constant 48 : index
      %get3A_615 = tpu.vector_load %arg12[%get3A_612, %get3A_613, %get3A_614] {strides = array<i32>} : memref<3x256x128xf32, #tpu.memory_space<vmem>>, vector<1x1x16xf32>,
      %get3A_616 = vector.shape_cast %get3A_615 : vector<1x1x16xf32> to vector<16xf32>
      %mul3A_617 = arith.mulf %get3A_616, %get3A_616 : vector<16xf32>
      %add3A_618 = arith.addf %scan3A_571, %mul3A_617 : vector<16xf32>
      %mul3A_619 = arith.constant 2 : i32
      %mul3A_620 = arith.muli %mul3A_619, %scan3A_567 : i32
      %add3A_621 = arith.constant 0 : i32
      %add3A_622 = arith.addi %mul3A_620, %add3A_621 : i32
      %get3A_623 = arith.constant 2 : i32
      %get3A_624 = arith.index_cast %get3A_623 : i32 to index
      %get3A_625 = arith.index_cast %add3A_622 : i32 to index
      %get3A_626 = arith.constant 64 : index
      %get3A_627 = tpu.vector_load %arg12[%get3A_624, %get3A_625, %get3A_626] {strides = array<i32>} : memref<3x256x128xf32, #tpu.memory_space<vmem>>, vector<1x1x16xf32>,
      %get3A_628 = vector.shape_cast %get3A_627 : vector<1x1x16xf32> to vector<16xf32>
      %mul3A_629 = arith.mulf %get3A_628, %get3A_628 : vector<16xf32>
      %add3A_630 = arith.addf %add3A_582, %mul3A_629 : vector<16xf32>
      %mul3A_631 = arith.constant 2 : i32
      %mul3A_632 = arith.muli %mul3A_631, %scan3A_567 : i32
      %add3A_633 = arith.constant 0 : i32
      %add3A_634 = arith.addi %mul3A_632, %add3A_633 : i32
      %get3A_635 = arith.constant 2 : i32
      %get3A_636 = arith.index_cast %get3A_635 : i32 to index
      %get3A_637 = arith.index_cast %add3A_634 : i32 to index
      %get3A_638 = arith.constant 80 : index
      %get3A_639 = tpu.vector_load %arg12[%get3A_636, %get3A_637, %get3A_638] {strides = array<i32>} : memref<3x256x128xf32, #tpu.memory_space<vmem>>, vector<1x1x16xf32>,
      %get3A_640 = vector.shape_cast %get3A_639 : vector<1x1x16xf32> to vector<16xf32>
      %mul3A_641 = arith.mulf %get3A_640, %get3A_640 : vector<16xf32>
      %add3A_642 = arith.addf %add3A_594, %mul3A_641 : vector<16xf32>
      %mul3A_643 = arith.constant 2 : i32
      %mul3A_644 = arith.muli %mul3A_643, %scan3A_567 : i32
      %add3A_645 = arith.constant 0 : i32
      %add3A_646 = arith.addi %mul3A_644, %add3A_645 : i32
      %get3A_647 = arith.constant 2 : i32
      %get3A_648 = arith.index_cast %get3A_647 : i32 to index
      %get3A_649 = arith.index_cast %add3A_646 : i32 to index
      %get3A_650 = arith.constant 96 : index
      %get3A_651 = tpu.vector_load %arg12[%get3A_648, %get3A_649, %get3A_650] {strides = array<i32>} : memref<3x256x128xf32, #tpu.memory_space<vmem>>, vector<1x1x16xf32>,
      %get3A_652 = vector.shape_cast %get3A_651 : vector<1x1x16xf32> to vector<16xf32>
      %mul3A_653 = arith.mulf %get3A_652, %get3A_652 : vector<16xf32>
      %add3A_654 = arith.addf %add3A_606, %mul3A_653 : vector<16xf32>
      %mul3A_655 = arith.constant 2 : i32
      %mul3A_656 = arith.muli %mul3A_655, %scan3A_567 : i32
      %add3A_657 = arith.constant 0 : i32
      %add3A_658 = arith.addi %mul3A_656, %add3A_657 : i32
      %get3A_659 = arith.constant 2 : i32
      %get3A_660 = arith.index_cast %get3A_659 : i32 to index
      %get3A_661 = arith.index_cast %add3A_658 : i32 to index
      %get3A_662 = arith.constant 112 : index
      %get3A_663 = tpu.vector_load %arg12[%get3A_660, %get3A_661, %get3A_662] {strides = array<i32>} : memref<3x256x128xf32, #tpu.memory_space<vmem>>, vector<1x1x16xf32>,
      %get3A_664 = vector.shape_cast %get3A_663 : vector<1x1x16xf32> to vector<16xf32>
      %mul3A_665 = arith.mulf %get3A_664, %get3A_664 : vector<16xf32>
      %add3A_666 = arith.addf %add3A_618, %mul3A_665 : vector<16xf32>
      %mul3A_667 = arith.constant 2 : i32
      %mul3A_668 = arith.muli %mul3A_667, %scan3A_567 : i32
      %add3A_669 = arith.constant 1 : i32
      %add3A_670 = arith.addi %mul3A_668, %add3A_669 : i32
      %get3A_671 = arith.constant 2 : i32
      %get3A_672 = arith.index_cast %get3A_671 : i32 to index
      %get3A_673 = arith.index_cast %add3A_670 : i32 to index
      %get3A_674 = arith.constant 0 : index
      %get3A_675 = tpu.vector_load %arg12[%get3A_672, %get3A_673, %get3A_674] {strides = array<i32>} : memref<3x256x128xf32, #tpu.memory_space<vmem>>, vector<1x1x16xf32>,
      %get3A_676 = vector.shape_cast %get3A_675 : vector<1x1x16xf32> to vector<16xf32>
      %mul3A_677 = arith.mulf %get3A_676, %get3A_676 : vector<16xf32>
      %add3A_678 = arith.addf %add3A_630, %mul3A_677 : vector<16xf32>
      %mul3A_679 = arith.constant 2 : i32
      %mul3A_680 = arith.muli %mul3A_679, %scan3A_567 : i32
      %add3A_681 = arith.constant 1 : i32
      %add3A_682 = arith.addi %mul3A_680, %add3A_681 : i32
      %get3A_683 = arith.constant 2 : i32
      %get3A_684 = arith.index_cast %get3A_683 : i32 to index
      %get3A_685 = arith.index_cast %add3A_682 : i32 to index
      %get3A_686 = arith.constant 16 : index
      %get3A_687 = tpu.vector_load %arg12[%get3A_684, %get3A_685, %get3A_686] {strides = array<i32>} : memref<3x256x128xf32, #tpu.memory_space<vmem>>, vector<1x1x16xf32>,
      %get3A_688 = vector.shape_cast %get3A_687 : vector<1x1x16xf32> to vector<16xf32>
      %mul3A_689 = arith.mulf %get3A_688, %get3A_688 : vector<16xf32>
      %add3A_690 = arith.addf %add3A_642, %mul3A_689 : vector<16xf32>
      %mul3A_691 = arith.constant 2 : i32
      %mul3A_692 = arith.muli %mul3A_691, %scan3A_567 : i32
      %add3A_693 = arith.constant 1 : i32
      %add3A_694 = arith.addi %mul3A_692, %add3A_693 : i32
      %get3A_695 = arith.constant 2 : i32
      %get3A_696 = arith.index_cast %get3A_695 : i32 to index
      %get3A_697 = arith.index_cast %add3A_694 : i32 to index
      %get3A_698 = arith.constant 32 : index
      %get3A_699 = tpu.vector_load %arg12[%get3A_696, %get3A_697, %get3A_698] {strides = array<i32>} : memref<3x256x128xf32, #tpu.memory_space<vmem>>, vector<1x1x16xf32>,
      %get3A_700 = vector.shape_cast %get3A_699 : vector<1x1x16xf32> to vector<16xf32>
      %mul3A_701 = arith.mulf %get3A_700, %get3A_700 : vector<16xf32>
      %add3A_702 = arith.addf %add3A_654, %mul3A_701 : vector<16xf32>
      %mul3A_703 = arith.constant 2 : i32
      %mul3A_704 = arith.muli %mul3A_703, %scan3A_567 : i32
      %add3A_705 = arith.constant 1 : i32
      %add3A_706 = arith.addi %mul3A_704, %add3A_705 : i32
      %get3A_707 = arith.constant 2 : i32
      %get3A_708 = arith.index_cast %get3A_707 : i32 to index
      %get3A_709 = arith.index_cast %add3A_706 : i32 to index
      %get3A_710 = arith.constant 48 : index
      %get3A_711 = tpu.vector_load %arg12[%get3A_708, %get3A_709, %get3A_710] {strides = array<i32>} : memref<3x256x128xf32, #tpu.memory_space<vmem>>, vector<1x1x16xf32>,
      %get3A_712 = vector.shape_cast %get3A_711 : vector<1x1x16xf32> to vector<16xf32>
      %mul3A_713 = arith.mulf %get3A_712, %get3A_712 : vector<16xf32>
      %add3A_714 = arith.addf %add3A_666, %mul3A_713 : vector<16xf32>
      %mul3A_715 = arith.constant 2 : i32
      %mul3A_716 = arith.muli %mul3A_715, %scan3A_567 : i32
      %add3A_717 = arith.constant 1 : i32
      %add3A_718 = arith.addi %mul3A_716, %add3A_717 : i32
      %get3A_719 = arith.constant 2 : i32
      %get3A_720 = arith.index_cast %get3A_719 : i32 to index
      %get3A_721 = arith.index_cast %add3A_718 : i32 to index
      %get3A_722 = arith.constant 64 : index
      %get3A_723 = tpu.vector_load %arg12[%get3A_720, %get3A_721, %get3A_722] {strides = array<i32>} : memref<3x256x128xf32, #tpu.memory_space<vmem>>, vector<1x1x16xf32>,
      %get3A_724 = vector.shape_cast %get3A_723 : vector<1x1x16xf32> to vector<16xf32>
      %mul3A_725 = arith.mulf %get3A_724, %get3A_724 : vector<16xf32>
      %add3A_726 = arith.addf %add3A_678, %mul3A_725 : vector<16xf32>
      %mul3A_727 = arith.constant 2 : i32
      %mul3A_728 = arith.muli %mul3A_727, %scan3A_567 : i32
      %add3A_729 = arith.constant 1 : i32
      %add3A_730 = arith.addi %mul3A_728, %add3A_729 : i32
      %get3A_731 = arith.constant 2 : i32
      %get3A_732 = arith.index_cast %get3A_731 : i32 to index
      %get3A_733 = arith.index_cast %add3A_730 : i32 to index
      %get3A_734 = arith.constant 80 : index
      %get3A_735 = tpu.vector_load %arg12[%get3A_732, %get3A_733, %get3A_734] {strides = array<i32>} : memref<3x256x128xf32, #tpu.memory_space<vmem>>, vector<1x1x16xf32>,
      %get3A_736 = vector.shape_cast %get3A_735 : vector<1x1x16xf32> to vector<16xf32>
      %mul3A_737 = arith.mulf %get3A_736, %get3A_736 : vector<16xf32>
      %add3A_738 = arith.addf %add3A_690, %mul3A_737 : vector<16xf32>
      %mul3A_739 = arith.constant 2 : i32
      %mul3A_740 = arith.muli %mul3A_739, %scan3A_567 : i32
      %add3A_741 = arith.constant 1 : i32
      %add3A_742 = arith.addi %mul3A_740, %add3A_741 : i32
      %get3A_743 = arith.constant 2 : i32
      %get3A_744 = arith.index_cast %get3A_743 : i32 to index
      %get3A_745 = arith.index_cast %add3A_742 : i32 to index
      %get3A_746 = arith.constant 96 : index
      %get3A_747 = tpu.vector_load %arg12[%get3A_744, %get3A_745, %get3A_746] {strides = array<i32>} : memref<3x256x128xf32, #tpu.memory_space<vmem>>, vector<1x1x16xf32>,
      %get3A_748 = vector.shape_cast %get3A_747 : vector<1x1x16xf32> to vector<16xf32>
      %mul3A_749 = arith.mulf %get3A_748, %get3A_748 : vector<16xf32>
      %add3A_750 = arith.addf %add3A_702, %mul3A_749 : vector<16xf32>
      %mul3A_751 = arith.constant 2 : i32
      %mul3A_752 = arith.muli %mul3A_751, %scan3A_567 : i32
      %add3A_753 = arith.constant 1 : i32
      %add3A_754 = arith.addi %mul3A_752, %add3A_753 : i32
      %get3A_755 = arith.constant 2 : i32
      %get3A_756 = arith.index_cast %get3A_755 : i32 to index
      %get3A_757 = arith.index_cast %add3A_754 : i32 to index
      %get3A_758 = arith.constant 112 : index
      %get3A_759 = tpu.vector_load %arg12[%get3A_756, %get3A_757, %get3A_758] {strides = array<i32>} : memref<3x256x128xf32, #tpu.memory_space<vmem>>, vector<1x1x16xf32>,
      %get3A_760 = vector.shape_cast %get3A_759 : vector<1x1x16xf32> to vector<16xf32>
      %mul3A_761 = arith.mulf %get3A_760, %get3A_760 : vector<16xf32>
      %add3A_762 = arith.addf %add3A_714, %mul3A_761 : vector<16xf32>
      scf.yield %add3A_726, %add3A_738, %add3A_750, %add3A_762 : vector<16xf32>, vector<16xf32>, vector<16xf32>, vector<16xf32>
    }
    %scan3A_547 = arith.constant 128 : i32
    %dma_wait3A_548 = arith.constant 2 : i32
    %dma_wait3A_549 = arith.constant 0 : i32
    %dma_wait3A_550 = arith.constant 0 : i32
    %dma_wait3A_551 = tpu.memref_slice %arg12[%dma_wait3A_548, %dma_wait3A_549, %dma_wait3A_550] : memref<3x256x128xf32, #tpu.memory_space<vmem>> -> memref<1x256x128xf32, #tpu.memory_space<vmem>>
    %dma_wait3A_552 = tpu.memref_squeeze %dma_wait3A_551 : memref<1x256x128xf32, #tpu.memory_space<vmem>> -> memref<256x128xf32, #tpu.memory_space<vmem>>
    %dma_wait3A_553 = arith.constant 0 : i32
    %dma_wait3A_554 = tpu.memref_slice %arg9[%add3A_504, %dma_wait3A_553] : memref<16384x128xf32, #tpu.memory_space<hbm>> -> memref<256x128xf32, #tpu.memory_space<hbm>>
    %dma_wait3A_555 = arith.constant 0 : i32
    %dma_wait3A_556 = tpu.memref_slice %arg9[%add3A_504, %dma_wait3A_555] : memref<16384x128xf32, #tpu.memory_space<hbm>> -> memref<256x128xf32, #tpu.memory_space<hbm>>
    %dma_wait3A_557 = arith.constant 0 : i32
    %dma_wait3A_558 = arith.constant 0 : i32
    %dma_wait3A_559 = tpu.memref_slice %arg12[%dma_wait3A_548, %dma_wait3A_557, %dma_wait3A_558] : memref<3x256x128xf32, #tpu.memory_space<vmem>> -> memref<1x256x128xf32, #tpu.memory_space<vmem>>
    %dma_wait3A_560 = tpu.memref_squeeze %dma_wait3A_559 : memref<1x256x128xf32, #tpu.memory_space<vmem>> -> memref<256x128xf32, #tpu.memory_space<vmem>>
    tpu.wait_dma2 semaphore(%arg20 : memref<!tpu.dma_semaphore, #tpu.memory_space<semaphore_mem>>) src(%dma_wait3A_560 : memref<256x128xf32, #tpu.memory_space<vmem>>) dst(%dma_wait3A_556 : memref<256x128xf32, #tpu.memory_space<hbm>>)
    %add3A_561 = arith.addf %scan3A_546#0, %scan3A_546#1 : vector<16xf32>
    %add3A_562 = arith.addf %scan3A_546#2, %scan3A_546#3 : vector<16xf32>
    %add3A_563 = arith.addf %add3A_561, %add3A_562 : vector<16xf32>
    %swap3A = arith.constant 0 : index
    %swap3A_564 = tpu.vector_load %arg13[%swap3A] {strides = array<i32>} : memref<16xf32, #tpu.memory_space<vmem>>, vector<16xf32>,
    %swap3A_565 = vector.shape_cast %swap3A_564 : vector<16xf32> to vector<16xf32>
    %swap3A_566 = vector.shape_cast %add3A_563 : vector<16xf32> to vector<16xf32>
    tpu.vector_store %arg13[%swap3A], %swap3A_566 {strides = array<i32>} : memref<16xf32, #tpu.memory_space<vmem>>, vector<16xf32>,
    "tpu.region"() ({
      %run_scoped3A = tpu.sem_alloc : memref<!tpu.dma_semaphore, #tpu.memory_space<semaphore_mem>>
      %dma_start3A_567 = arith.constant 0 : i32
      %dma_start3A_568 = tpu.memref_slice %arg10[%add3A, %dma_start3A_567] : memref<32x16xf32, #tpu.memory_space<hbm>> -> memref<1x16xf32, #tpu.memory_space<hbm>>
      %dma_start3A_569 = tpu.memref_squeeze %dma_start3A_568 : memref<1x16xf32, #tpu.memory_space<hbm>> -> memref<16xf32, #tpu.memory_space<hbm>>
      %dma_start3A_570 = arith.constant 0 : i32
      %dma_start3A_571 = tpu.memref_slice %arg10[%add3A, %dma_start3A_570] : memref<32x16xf32, #tpu.memory_space<hbm>> -> memref<1x16xf32, #tpu.memory_space<hbm>>
      %dma_start3A_572 = tpu.memref_squeeze %dma_start3A_571 : memref<1x16xf32, #tpu.memory_space<hbm>> -> memref<16xf32, #tpu.memory_space<hbm>>
      tpu.enqueue_dma source(%arg13 : memref<16xf32, #tpu.memory_space<vmem>>) target(%dma_start3A_572 : memref<16xf32, #tpu.memory_space<hbm>>) target_semaphore(%run_scoped3A : memref<!tpu.dma_semaphore, #tpu.memory_space<semaphore_mem>>)
      %dma_wait3A_573 = arith.constant 0 : i32
      %dma_wait3A_574 = tpu.memref_slice %arg10[%add3A, %dma_wait3A_573] : memref<32x16xf32, #tpu.memory_space<hbm>> -> memref<1x16xf32, #tpu.memory_space<hbm>>
      %dma_wait3A_575 = tpu.memref_squeeze %dma_wait3A_574 : memref<1x16xf32, #tpu.memory_space<hbm>> -> memref<16xf32, #tpu.memory_space<hbm>>
      %dma_wait3A_576 = arith.constant 0 : i32
      %dma_wait3A_577 = tpu.memref_slice %arg10[%add3A, %dma_wait3A_576] : memref<32x16xf32, #tpu.memory_space<hbm>> -> memref<1x16xf32, #tpu.memory_space<hbm>>
      %dma_wait3A_578 = tpu.memref_squeeze %dma_wait3A_577 : memref<1x16xf32, #tpu.memory_space<hbm>> -> memref<16xf32, #tpu.memory_space<hbm>>
      tpu.wait_dma2 semaphore(%run_scoped3A : memref<!tpu.dma_semaphore, #tpu.memory_space<semaphore_mem>>) src(%arg13 : memref<16xf32, #tpu.memory_space<vmem>>) dst(%dma_wait3A_578 : memref<16xf32, #tpu.memory_space<hbm>>)
      tpu.yield
    }) : () -> ()
    return
  }
}

</mosaic_0001>

<sc_bundles>
// kernel: kernel.3.cloned.1.call-start
scs
__scs_entry_jumppad:
0x0: {  	(pc) =	sbr.rel $0x88, $3  }
0x1: {  	(tag) =	ssettag $0x0;
	lr =	simm.s32 $0x1  }
0x2: {  	[smem:$0x3F9C] =	sst lr;
	_ =	strace $0xD0000000  }
0x3: {  	_ = 	snop  }
0x4: {  	_ = 	snop  }
0x5: {  	_ = 	snop  }
0x6: {  	_ = 	snop  }
0x7: {  	_ = 	snop  }
__scs_overlays_trampoline_lowered:
0x8: {  	[smem:$0x3FAB] =	sst s0  }
0x9: {  	[smem:$0x3FAC] =	sst s1  }
0xa: {  	[smem:$0x3FAD] =	sst s2  }
0xb: {  	[smem:$0x3FAE] =	sst s3  }
0xc: {  	[smem:$0x3FAF] =	sst s4  }
0xd: {  	[smem:$0x3FB0] =	sst s5  }
0xe: {  	[smem:$0x3FB1] =	sst s6  }
0xf: {  	[smem:$0x3FB2] =	sst s7  }
0x10: {  	[smem:$0x3FB3] =	sst s8  }
0x11: {  	[smem:$0x3FB4] =	sst s9;
	s0 =	simm.s32 @!p0 $0x0  }
0x12: {  	s1 =	sld [smem:$0x3F9A];
	s0 =	simm.s32 @p0 $0x1  }
0x13: {  	[smem:$0x3FB5] =	sst s0;
	s0 =	simm.s32 @!p1 $0x0  }
0x14: {  	s2 =	sld [smem:$0x3F99];
	s0 =	simm.s32 @p1 $0x1  }
0x15: {  	[smem:$0x3FB6] =	sst s0;
	s0 =	simm.s32 @!p2 $0x0  }
0x16: {  	s3 =	sld [smem:$0x3FDB];
	s0 =	simm.s32 @p2 $0x1  }
0x17: {  	s4 =	simm.s32 $0x1BF5;
	[smem:$0x3FB8] =	sst s0  }
0x18: {  	s0 =	sld [smem:$0x3F9B];
	_ =	swait.ge [sflag:s4], $0x0  }
0x19: {  	s7 =	sld [smem:$0x3F9C]  }
0x1a: {  	s8 =	sadd.s32 $0xFFFFE003, lr  }
0x1b: {  	s9 =	sadd.s32 $0xFFFFFEF7, lr;
	s5 =	simm.s32 $0xFFFFFFFF;
	p2 =	slt.u32 s8, $0xFFFFF086  }
0x1c: {  	p1 =	slt.u32 s9, $0xF7A;
	s5 =	simm.s32 @!p2 $0x0  }
0x1d: {  	s5 =	simm.s32 @p1 $0x1;
	p0 =	seq.s32 s7, s2  }
0x1e: {  	s7 =	smul.u32 @!p0 $0xF7A, s2;
	p2 =	seq.s32 @!p0 s5, $0x0  }
0x1f: {  	s9 =	smul.u32 $0xF7A, s1;
	s8 =	simm.s32 @!p0 $0x1BF5;
	p2 =	por !p2, p0  }
0x20: {  	[sflag:s8] =	ssyncset.s32 @!p0 $0xFFFFF086;
	s6 =	sadd.s32 @!p0 s3, s7;
	s7 =	simm.s32 @!p0 $0x108  }
0x21: {  	s3 =	sadd.s32 s3, s9;
	s6 =	sadd.s32 @!p0 $0x88, s6;
	s7 =	simm.s32 @p2 $0x1082  }
0x22: {  	[simem:s7], [sflag:s8] =	dma.local @!p0 [hbm:s6], $0xF7A  }
0x23: {  	s9 =	sor.u32 $0xD0000000, s2;
	s6 =	simm.s32 $0x108;
	_ =	swait.ge @!p0 [sflag:s8], $0x0  }
0x24: {  	s3 =	sadd.s32 $0x88, s3;
	s6 =	simm.s32 @!p1 $0x1082;
	[sflag:s4] =	ssyncset.s32 $0xFFFFF086  }
0x25: {  	[simem:s6], [sflag:s4] =	dma.local [hbm:s3], $0xF7A  }
0x26: {  	[smem:$0x3F9C] =	sst s1;
	(tag) =	ssettag s2;
	_ =	strace s9  }
0x27: {  	s1 =	sld [smem:$0x3FAC]  }
0x28: {  	s2 =	sld [smem:$0x3FAD]  }
0x29: {  	s4 =	sld [smem:$0x3FAF]  }
0x2a: {  	p0 =	seq.s32 s5, $0x0;
	s5 =	sld [smem:$0x3FB0]  }
0x2b: {  	s6 =	sld [smem:$0x3FB1]  }
0x2c: {  	s7 =	sld [smem:$0x3FB2]  }
0x2d: {  	s3 =	simm.s32 $0x108;
	s8 =	sld [smem:$0x3FB3]  }
0x2e: {  	s3 =	simm.s32 @!p0 $0x1082;
	s9 =	sld [smem:$0x3FB4]  }
0x2f: {  	lr =	sadd.s32 s0, s3;
	s0 =	sld [smem:$0x3FAB]  }
0x30: {  	s3 =	sld [smem:$0x3FAE]  }
0x31: {  	[smem:$0x3FB7] =	sst s10  }
0x32: {  	s10 =	sld [smem:$0x3FB5];
	_ =	sdelay $0x3  }
0x33: {  	p0 =	seq.s32 s10, $0x1;
	s10 =	sld [smem:$0x3FB7];
	_ =	sdelay $0x3  }
0x34: {  	[smem:$0x3FB7] =	sst s10  }
0x35: {  	s10 =	sld [smem:$0x3FB6];
	_ =	sdelay $0x3  }
0x36: {  	p1 =	seq.s32 s10, $0x1;
	s10 =	sld [smem:$0x3FB7];
	_ =	sdelay $0x3  }
0x37: {  	[smem:$0x3FB7] =	sst s10  }
0x38: {  	s10 =	sld [smem:$0x3FB8]  }
0x39: {  	_ = 	snop;
	(pc) =	sbr.ind lr, $3  }
0x3a: {  	_ = 	snop  }
0x3b: {  	_ = 	snop  }
0x3c: {  	p2 =	seq.s32 s10, $0x1;
	s10 =	sld [smem:$0x3FB7]  }
0x3d: {  	_ =	shalt  }
0x3e: {  	_ =	shalt  }
0x3f: {  	_ =	shalt  }
0x40: {  	_ =	shalt  }
0x41: {  	_ =	shalt  }
0x42: {  	_ =	shalt  }
0x43: {  	_ =	shalt  }
0x44: {  	_ =	shalt  }
0x45: {  	_ =	shalt  }
0x46: {  	_ =	shalt  }
0x47: {  	_ =	shalt  }
0x48: {  	_ =	shalt  }
0x49: {  	_ =	shalt  }
0x4a: {  	_ =	shalt  }
0x4b: {  	_ =	shalt  }
0x4c: {  	_ =	shalt  }
0x4d: {  	_ =	shalt  }
0x4e: {  	_ =	shalt  }
0x4f: {  	_ =	shalt  }
0x50: {  	_ =	shalt  }
0x51: {  	_ =	shalt  }
0x52: {  	_ =	shalt  }
0x53: {  	_ =	shalt  }
0x54: {  	_ =	shalt  }
0x55: {  	_ =	shalt  }
0x56: {  	_ =	shalt  }
0x57: {  	_ =	shalt  }
0x58: {  	_ =	shalt  }
0x59: {  	_ =	shalt  }
0x5a: {  	_ =	shalt  }
0x5b: {  	_ =	shalt  }
0x5c: {  	_ =	shalt  }
0x5d: {  	_ =	shalt  }
0x5e: {  	_ =	shalt  }
0x5f: {  	_ =	shalt  }
0x60: {  	_ =	shalt  }
0x61: {  	_ =	shalt  }
0x62: {  	_ =	shalt  }
0x63: {  	_ =	shalt  }
0x64: {  	_ =	shalt  }
0x65: {  	_ =	shalt  }
0x66: {  	_ =	shalt  }
0x67: {  	_ =	shalt  }
0x68: {  	_ =	shalt  }
0x69: {  	_ =	shalt  }
0x6a: {  	_ =	shalt  }
0x6b: {  	_ =	shalt  }
0x6c: {  	_ =	shalt  }
0x6d: {  	_ =	shalt  }
0x6e: {  	_ =	shalt  }
0x6f: {  	_ =	shalt  }
0x70: {  	_ =	shalt  }
0x71: {  	_ =	shalt  }
0x72: {  	_ =	shalt  }
0x73: {  	_ =	shalt  }
0x74: {  	_ =	shalt  }
0x75: {  	_ =	shalt  }
0x76: {  	_ =	shalt  }
0x77: {  	_ =	shalt  }
0x78: {  	_ =	shalt  }
0x79: {  	_ =	shalt  }
0x7a: {  	_ =	shalt  }
0x7b: {  	_ =	shalt  }
0x7c: {  	_ =	shalt  }
0x7d: {  	_ =	shalt  }
0x7e: {  	_ =	shalt  }
0x7f: {  	_ =	shalt  }
0x80: {  	_ =	shalt  }
0x81: {  	_ =	shalt  }
0x82: {  	_ =	shalt  }
0x83: {  	_ =	shalt  }
0x84: {  	_ =	shalt  }
0x85: {  	_ =	shalt  }
0x86: {  	_ =	shalt  }
0x87: {  	_ =	shalt  }
.Lfunc_end0:
.L_simem_size_0:
called_computation_lowered:
.L_overlay_start_0:
0x88: {  	s2 =	sld [smem:$0x3FD9]  }
0x89: {  	s3 =	sld [smem:$0x3FFE];
	_ =	sdelay $0x1  }
0x8a: {  	s1 =	srdreg.scid  }
0x8b: {  	s0 =	sand.u32 $0x1, s1  }
0x8c: {  	s14 =	sshll.u32 s0, $0xA;
	s2 =	sadd.s32 s3, s2  }
0x8d: {  	s2 =	sadd.s32 s2, s14  }
0x8e: {  	[smem:$0x3FC3] =	sst s2  }
0x8f: {  	_ = 	snop  }
0x90: {  	s2 =	sld [smem:$0x3FC9]  }
0x91: {  	s15 =	sld [smem:$0x3FC8]  }
0x92: {  	s4 =	sld [smem:$0x3FD0]  }
0x93: {  	s5 =	sld [smem:$0x3FC7]  }
0x94: {  	s6 =	sld [smem:$0x3FC6]  }
0x95: {  	s8 =	simm.s32 $0xA;
	s9 =	simm.s32 $0x10;
	s7 =	sld [smem:$0x3FC5]  }
0x96: {  	[smem:s9], [sflag:s8] =	dma.local [hbm:s4], $0x1  }
0x97: {  	_ =	swait.eq [sflag:s8], $0x1  }
0x98: {  	s16 =	sld [smem:$0x10];
	[sflag:s8] =	ssyncset.done $0x0  }
0x99: {  	s17 =	sld [smem:$0x11];
	[sflag:s8] =	ssyncadd.s32 $0xFFFFFFFF  }
0x9a: {  	s18 =	sld [smem:$0x12];
	(tm) =	ssettm $0x1  }
0x9b: {  	s10 =	sld [smem:$0x3FFB];
	_ =	sdelay $0x3  }
0x9c: {  	_ =	strace s10  }
0x9d: {  	s10 =	sld [smem:$0x3FFC];
	_ =	sdelay $0x3  }
0x9e: {  	_ =	strace s10  }
0x9f: {  	s10 =	sld [smem:$0x3FFD];
	_ =	sdelay $0x3  }
0xa0: {  	_ =	strace s10  }
0xa1: {  	_ =	strace $0x8FFFFFFF  }
0xa2: {  	s19 =	sld [smem:$0x3FDB];
	_ =	sdelay $0x1  }
0xa3: {  	s11 =	simm.s32 $_scs_section_size  }
0xa4: {  	s12 =	simm.s32 $_size__tile_overlayer_lowered;
	s13 =	simm.s32 $_tile_overlayer_lowered  }
0xa5: {  	s22 =	simm.s32 $0x1BFF;
	s21 =	sshll.u32 s13, $0x1;
	s10 =	sadd.s32 s11, s19  }
0xa6: {  	s20 =	sshll.u32 s12, $0x1;
	s14 =	simm.s32 $0x0;
	s12 =	sadd.s32 s21, s10  }
0xa7: {  	[timem:s14], [sflag:s22] =	dma.local [hbm:s12], s20  }
0xa8: {  	_ =	swait.ge [sflag:s22], s20  }
0xa9: {  	s11 =	ssub.s32 $0x0, s20;
	[sflag:s22] =	ssyncset.done $0x0  }
0xaa: {  	[sflag:s22] =	ssyncadd.s32 s11;
	_ =	sdelay $0x1  }
0xab: {  	s23 =	simm.s32 $0x1B8B  }
0xac: {  	_ =	swait.ge [sflag:s23], $0x1  }
0xad: {  	[sflag:s23] =	ssyncset.done $0x0  }
0xae: {  	s25 =	simm.s32 $0x1B8E;
	s24 =	sld [smem:$0x3FFE];
	[sflag:s23] =	ssyncadd.s32 $0xFFFFFFFF  }
0xaf: {  	s26 =	simm.s32 $execute0_lowered;
	[smem:$0x3FD2] =	sst s25  }
0xb0: {  	s12 =	sshll.u32 s26, $0x1;
	_ =	strace $0x80000046;
	[dreg:$0x1] =	wrdreg $0xFFFFFFFF  }
0xb1: {  	s28 =	simm.s32 $_size_execute0_lowered;
	s10 =	sadd.s32 s10, s12;
	[dreg:$0x0] =	wrdreg $0x0  }
0xb2: {  	s12 =	sshll.u32 s28, $0x1;
	[dreg:$0x2] =	wrdreg s10  }
0xb3: {  	[dreg:$0x3] =	wrdreg s12  }
0xb4: {  	[dreg:$0x4] =	wrdreg $0xC0  }
0xb5: {  	_ =	task [dreg:s14], $0x5FFFF  }
0xb6: {  	[dreg:$0x1] =	wrdreg $0xFFFFFFFF  }
0xb7: {  	[dreg:$0x0] =	wrdreg $0x60  }
0xb8: {  	[dreg:$0x2] =	wrdreg s2  }
0xb9: {  	[dreg:$0x3] =	wrdreg s15  }
0xba: {  	[dreg:$0x4] =	wrdreg s5  }
0xbb: {  	[dreg:$0x5] =	wrdreg s6  }
0xbc: {  	[dreg:$0x6] =	wrdreg s7  }
0xbd: {  	[dreg:$0x7] =	wrdreg s16  }
0xbe: {  	[dreg:$0x8] =	wrdreg s17  }
0xbf: {  	[dreg:$0x9] =	wrdreg s18  }
0xc0: {  	[dreg:$0xa] =	wrdreg s24  }
0xc1: {  	[dreg:$0xb] =	wrdreg $0x9  }
0xc2: {  	_ =	task.clear_ibuf [dreg:s14], $0xCFFFF;
	_ =	strace $0x90000046  }
0xc3: {  	s29 =	simm.s32 $0x9;
	_ =	strace $0x80000048  }
0xc4: {  	_ =	swait.ge [sflag:s29], $0x1  }
0xc5: {  	[sflag:s29] =	ssyncadd.s32 $0xFFFFFFFF  }
0xc6: {  	_ =	strace $0x90000048  }
0xc7: {  	_ =	sfence  }
0xc8: {  	s30 =	sld [smem:$0x0];
	_ =	sdelay $0x2  }
0xc9: {  	s31 =	sshll.u32 s1, $0xD;
	s1 =	sshrl.u32 s1, $0x2  }
0xca: {  	s3 =	sand.u32 $0x4000, s31;
	s1 =	sadd.s32 s1, s30  }
0xcb: {  	s0 =	sor.u32 s3, s0;
	s1 =	sshll.u32 s1, $0x11  }
0xcc: {  	s0 =	sor.u32 s1, s0  }
0xcd: {  	s0 =	sadd.s32 $0x8F2B, s0  }
0xce: {  	[sflag:s0] =	ssyncadd.remote.s32 $0x1  }
0xcf: {  	_ =	sfence.sel $0xFFFF  }
0xd0: {  	[dreg:$0x0] =	wrdreg $0xFFFFFFFF;
	(pc) =	sbr.abs _section_cstart, $3  }
0xd1: {  	[dreg:$0x1] =	wrdreg $0xFFFFFFFF  }
0xd2: {  	_ =	task.clear_ibuf [dreg:s14], $0x2FFFF;
	_ =	strace $0x9FFFFFFF  }
0xd3: {  	(tm) =	ssettm $0x7FFFFFFF  }
tec
execute0_lowered:
.L_overlay_start_1:
0x0: {  	(tag) =	ssettag $0x1  }
0x1: {  	s0 =	rddreg [dreg:$0x0]  }
0x2: {  	s1 =	rddreg [dreg:$0x1]  }
0x3: {  	s2 =	rddreg [dreg:$0x2]  }
0x4: {  	s3 =	rddreg [dreg:$0x3]  }
0x5: {  	s5 =	rddreg [dreg:$0x4]  }
0x6: {  	s9 =	rddreg [dreg:$0x5]  }
0x7: {  	s11 =	rddreg [dreg:$0x6]  }
0x8: {  	s13 =	rddreg [dreg:$0x7]  }
0x9: {  	s4 =	srdreg.scid;
	s12 =	stileid.u32  }
0xa: {  	s6 =	rddreg [dreg:$0x8];
	s18 =	simm.s32 $0x1;
	s19 =	simm.s32 $0x80  }
0xb: {  	s20 =	simm.s32 $0x800;
	s21 =	simm.s32 $0x4800;
	s29 =	simm.s32 $0x14800  }
0xc: {  	s30 =	simm.s32 $0x2;
	s31 =	simm.s32 $0x5;
	s22 =	simm.s32 $0x3  }
0xd: {  	s28 =	simm.s32 $0x8;
	s16 =	simm.s32 $0x0;
	s7 =	sand.u32 $0x1, s4  }
0xe: {  	s8 =	sshll.u32 s12, $0x1;
	s4 =	simm.s32 $0x0;
	s12 =	sshll.u32 s12, $0x7  }
0xf: {  	s8 =	sor.u32 s7, s8;
	[smem:$0x7FF] =	sst s4;
	s23 =	ssub.s32 $0x2, s7  }
0x10: {  	s7 =	sshll.u32 s7, $0x6;
	s10 =	sshll.u32 s8, $0x4;
	_ =	strace $0x80000047  }
0x11: {  	s24 =	sshrl.u32 s23, $0x1;
	s7 =	sor.u32 s7, s12;
	s25 =	sshll.u32 s8, $0xD  }
0x12: {  	s14 =	sadd.s32 s10, s6;
	s15 =	ssub.s32 s23, s24;
	s2 =	sadd.s32 s2, s7  }
0x13: {  	s6 =	sadd.s32 s3, s7;
	s26 =	sor.u32 $0x1000, s25;
	s7 =	sadd.s32 s5, s7  }
0x14: {  	s8 =	sadd.s32 s9, s25;
	s10 =	sadd.s32 s11, s25;
	s12 =	sadd.s32 s13, s25  }
0x15: {  	s23 =	simm.s32 $0x8800;
	s25 =	simm.s32 $0xC800;
	s24 =	simm.s32 $0x6  }
0x16: {  	s3 =	simm.s32 $0x4;
	[dreg:$0xa] =	wrdreg s2;
	s9 =	sadd.s32 s9, s26  }
0x17: {  	s11 =	sadd.s32 s11, s26;
	s13 =	sadd.s32 s13, s26;
	s14 =	sadd.s32 $0x400, s14  }
0x18: {  	s15 =	smax.u32 s15, $0x1;
	s26 =	simm.s32 $0x10800;
	s2 =	simm.s32 $0x7  }
.LBB2_1:
0x19: {  	s5 =	rddreg [dreg:$0xa]  }
0x1a: {  	[tilespmem:s4], [sflag:$0x1] =	stream.linear.gather [hbm4b:s5+s4], $0x200, $0x38;
	[tilespmem:$0x18880] =	vst v63  }
0x1b: {  	s5 =	simm.s32 $0x200  }
0x1c: {  	[tilespmem:s5], [sflag:$0x1] =	stream.linear.gather [hbm4b:s6+s4], $0x200, $0x38;
	[tilespmem:$0x18880] =	vst v63  }
0x1d: {  	s17 =	simm.s32 $0x400  }
0x1e: {  	[tilespmem:s17], [sflag:$0x1] =	stream.linear.gather [hbm4b:s7+s4], $0x200, $0x38;
	[tilespmem:$0x18880] =	vst v63  }
0x1f: {  	_ =	swait.ge [sflag:s18], $0x200  }
0x20: {  	[sflag:s18] =	ssyncset.done $0x0  }
0x21: {  	[sflag:s18] =	ssyncadd.s32 $0xFFFFFE00  }
0x22: {  	[tilespmem:s20], [sflag:$0x2] =	stream.indirect.gather [hbm4b:s0+s19], $0x80, s4, s19, $0xb8;
	[tilespmem:$0x18880] =	vst v63  }
0x23: {  	_ = 	snop  }
0x24: {  	[tilespmem:s21], [sflag:$0x2] =	stream.indirect.gather [hbm4b:s0+s19], $0x80, s19, s19, $0xb8;
	[tilespmem:$0x18880] =	vst v63  }
0x25: {  	s17 =	simm.s32 $0x100  }
0x26: {  	[tilespmem:s23], [sflag:$0x3] =	stream.indirect.gather [hbm4b:s0+s19], $0x80, s17, s19, $0xb8;
	[tilespmem:$0x18880] =	vst v63  }
0x27: {  	s17 =	simm.s32 $0x180  }
0x28: {  	[tilespmem:s25], [sflag:$0x3] =	stream.indirect.gather [hbm4b:s0+s19], $0x80, s17, s19, $0xb8;
	[tilespmem:$0x18880] =	vst v63  }
0x29: {  	_ =	swait.ge [sflag:s18], $0x200  }
0x2a: {  	[sflag:s18] =	ssyncset.done $0x0  }
0x2b: {  	[sflag:s18] =	ssyncadd.s32 $0xFFFFFE00  }
0x2c: {  	[tilespmem:s26], [sflag:$0x4] =	stream.indirect.gather [hbm4b:s1+s19], $0x80, s5, s19, $0xb8;
	[tilespmem:$0x18880] =	vst v63  }
0x2d: {  	s17 =	simm.s32 $0x280  }
0x2e: {  	[tilespmem:s29], [sflag:$0x4] =	stream.indirect.gather [hbm4b:s1+s19], $0x80, s17, s19, $0xb8;
	[tilespmem:$0x18880] =	vst v63  }
0x2f: {  	_ =	swait.ge [sflag:s30], $0x4000  }
0x30: {  	[sflag:s30] =	ssyncset.done $0x0  }
0x31: {  	[sflag:s30] =	ssyncadd.s32 $0xFFFFC000  }
0x32: {  	_ =	swait.ge [sflag:s30], $0x4000  }
0x33: {  	[sflag:s30] =	ssyncset.done $0x0  }
0x34: {  	s17 =	simm.s32 $0x0;
	[sflag:s30] =	ssyncadd.s32 $0xFFFFC000  }
0x35: {  	[hbm4b:s8+s4] =	stream.linear.scatter [tilespmem:s20], [sflag:$0x5], $0x8000, $0x38;
	[tilespmem:$0x18880] =	vst v63  }
0x36: {  	v0 =	vld [tilespmem:s17+$0x8C0]  }
0x37: {  	v4 =	vld [tilespmem:s17+$0x8D0]  }
0x38: {  	v3 =	vld [tilespmem:s17+$0x880]  }
0x39: {  	v5 =	vld [tilespmem:s17+$0x890]  }
0x3a: {  	v6 =	vld [tilespmem:s17+$0x840]  }
0x3b: {  	v8 =	vld [tilespmem:s17+$0x850]  }
0x3c: {  	v11 =	vld [tilespmem:s17+$0x800]  }
0x3d: {  	v9 =	vimm.f32 $0.0e+00;
	v12 =	vld [tilespmem:s17+$0x810]  }
0x3e: {  	v7 =	vimm.f32 $0.0e+00;
	v1 =	vimm.f32 $0.0e+00;
	v2 =	vimm.f32 $0.0e+00;
	s5 =	simm.s32 $0x400;
	v10 =	vld [tilespmem:s17+$0x820]  }
.LBB2_2:
0x3f: {  	p0 =	sne.s32 s5, $0x1FC00;
	v13 =	vld [tilespmem:s17+$0x830]  }
0x40: {  	v15 =	vmul.f32 v0, v0;
	v16 =	vmul.f32 v4, v4;
	v14 =	vld [tilespmem:s17+$0x860]  }
0x41: {  	v17 =	vmul.f32 v3, v3;
	v18 =	vmul.f32 v5, v5;
	v4 =	vld [tilespmem:s17+$0x870]  }
0x42: {  	v3 =	vmul.f32 v6, v6;
	v5 =	vmul.f32 v8, v8;
	v6 =	vld [tilespmem:s17+$0x8A0]  }
0x43: {  	v0 =	vmul.f32 v11, v11;
	v8 =	vmul.f32 v12, v12;
	v11 =	vld [tilespmem:s17+$0x8B0]  }
0x44: {  	v10 =	vmul.f32 v10, v10;
	v12 =	vmul.f32 v13, v13;
	v13 =	vld [tilespmem:s17+$0x8E0]  }
0x45: {  	v9 =	vadd.f32 v0, v9;
	v7 =	vadd.f32 v8, v7;
	v8 =	vmul.f32 v14, v14;
	v14 =	vld [tilespmem:s17+$0x8F0];
	s17 =	sshra.s32 s5, $0x2  }
0x46: {  	v1 =	vadd.f32 v10, v1;
	v0 =	vld [tilespmem:s17+$0x8C0];
	v2 =	vadd.f32 v12, v2;
	v10 =	vmul.f32 v4, v4  }
0x47: {  	v9 =	vadd.f32 v3, v9;
	v7 =	vadd.f32 v5, v7;
	v4 =	vld [tilespmem:s17+$0x8D0];
	v12 =	vmul.f32 v6, v6  }
0x48: {  	v1 =	vadd.f32 v8, v1;
	v3 =	vld [tilespmem:s17+$0x880];
	v2 =	vadd.f32 v10, v2;
	v8 =	vmul.f32 v11, v11  }
0x49: {  	v9 =	vadd.f32 v17, v9;
	v7 =	vadd.f32 v18, v7;
	v5 =	vld [tilespmem:s17+$0x890];
	v10 =	vmul.f32 v13, v13  }
.Ltmp0:
0x4a: {  	v1 =	vadd.f32 v12, v1;
	v6 =	vld [tilespmem:s17+$0x840];
	v2 =	vadd.f32 v8, v2;
	v12 =	vmul.f32 v14, v14;
	(pc) =	sbr.rel @p0 .LBB2_2-.Ltmp0, $4  }
0x4b: {  	v9 =	vadd.f32 v15, v9;
	v7 =	vadd.f32 v16, v7;
	v8 =	vld [tilespmem:s17+$0x850]  }
0x4c: {  	v1 =	vadd.f32 v10, v1;
	v11 =	vld [tilespmem:s17+$0x800];
	v2 =	vadd.f32 v12, v2  }
0x4d: {  	v12 =	vld [tilespmem:s17+$0x810]  }
0x4e: {  	s5 =	sadd.s32 $0x400, s5;
	v10 =	vld [tilespmem:s17+$0x820]  }
0x4f: {  	v13 =	vld [tilespmem:s17+$0x830]  }
0x50: {  	v14 =	vld [tilespmem:s17+$0x860]  }
0x51: {  	v15 =	vld [tilespmem:s17+$0x870]  }
0x52: {  	v16 =	vld [tilespmem:s17+$0x8A0]  }
0x53: {  	v17 =	vld [tilespmem:s17+$0x8B0]  }
0x54: {  	v18 =	vld [tilespmem:s17+$0x8E0]  }
0x55: {  	v19 =	vld [tilespmem:s17+$0x8F0];
	_ =	swait.ge [sflag:s31], $0x8000  }
0x56: {  	[sflag:s31] =	ssyncset.done $0x0  }
0x57: {  	s5 =	simm.s32 $0x300;
	[sflag:s31] =	ssyncadd.s32 $0xFFFF8000  }
0x58: {  	[tilespmem:s20], [sflag:$0x2] =	stream.indirect.gather [hbm4b:s1+s19], $0x80, s5, s19, $0xb8;
	[tilespmem:$0x18880] =	vst v63  }
0x59: {  	s17 =	simm.s32 $0x380  }
0x5a: {  	[tilespmem:s21], [sflag:$0x2] =	stream.indirect.gather [hbm4b:s1+s19], $0x80, s17, s19, $0xb8;
	[tilespmem:$0x18880] =	vst v63  }
0x5b: {  	_ =	swait.ge [sflag:s22], $0x4000  }
0x5c: {  	[sflag:s22] =	ssyncset.done $0x0  }
0x5d: {  	[sflag:s22] =	ssyncadd.s32 $0xFFFFC000  }
0x5e: {  	_ =	swait.ge [sflag:s22], $0x4000  }
0x5f: {  	v20 =	vmul.f32 v0, v0;
	[sflag:s22] =	ssyncset.done $0x0  }
0x60: {  	v4 =	vmul.f32 v4, v4;
	v6 =	vmul.f32 v6, v6;
	s17 =	simm.s32 $0x0;
	[sflag:s22] =	ssyncadd.s32 $0xFFFFC000  }
0x61: {  	v0 =	vmul.f32 v11, v11;
	v11 =	vmul.f32 v12, v12;
	[hbm4b:s9+s17] =	stream.linear.scatter [tilespmem:s23], [sflag:$0x6], $0x8000, $0x38;
	[tilespmem:$0x18880] =	vst v63  }
0x62: {  	v12 =	vmul.f32 v3, v3;
	v3 =	vmul.f32 v10, v10;
	s17 =	simm.s32 $0x0  }
0x63: {  	v9 =	vadd.f32 v0, v9;
	v10 =	vmul.f32 v5, v5;
	v5 =	vmul.f32 v13, v13;
	v0 =	vld [tilespmem:s17+$0x88C0]  }
0x64: {  	v8 =	vmul.f32 v8, v8;
	v7 =	vadd.f32 v11, v7;
	v11 =	vadd.f32 v3, v1;
	v1 =	vld [tilespmem:s17+$0x88D0]  }
0x65: {  	v13 =	vmul.f32 v14, v14;
	v14 =	vmul.f32 v15, v15;
	v5 =	vadd.f32 v5, v2;
	v2 =	vld [tilespmem:s17+$0x8880]  }
0x66: {  	v6 =	vadd.f32 v6, v9;
	v9 =	vmul.f32 v16, v16;
	v7 =	vadd.f32 v8, v7;
	v3 =	vld [tilespmem:s17+$0x8890]  }
0x67: {  	v11 =	vadd.f32 v13, v11;
	v13 =	vadd.f32 v14, v5;
	v14 =	vmul.f32 v17, v17;
	v5 =	vld [tilespmem:s17+$0x8840]  }
0x68: {  	v15 =	vmul.f32 v18, v18;
	v6 =	vadd.f32 v12, v6;
	v7 =	vadd.f32 v10, v7;
	v8 =	vld [tilespmem:s17+$0x8850]  }
0x69: {  	v11 =	vadd.f32 v9, v11;
	v13 =	vadd.f32 v14, v13;
	v14 =	vmul.f32 v19, v19;
	v10 =	vld [tilespmem:s17+$0x8800]  }
0x6a: {  	v9 =	vadd.f32 v20, v6;
	v7 =	vadd.f32 v4, v7;
	v12 =	vld [tilespmem:s17+$0x8810]  }
0x6b: {  	s5 =	simm.s32 $0x400;
	v6 =	vadd.f32 v15, v11;
	v4 =	vadd.f32 v14, v13;
	v11 =	vld [tilespmem:s17+$0x8820]  }
.LBB2_4:
0x6c: {  	p0 =	sne.s32 s5, $0x1FC00;
	v13 =	vld [tilespmem:s17+$0x8830]  }
0x6d: {  	v15 =	vmul.f32 v0, v0;
	v16 =	vmul.f32 v1, v1;
	v14 =	vld [tilespmem:s17+$0x8860]  }
0x6e: {  	v17 =	vmul.f32 v2, v2;
	v18 =	vmul.f32 v3, v3;
	v1 =	vld [tilespmem:s17+$0x8870]  }
0x6f: {  	v2 =	vmul.f32 v5, v5;
	v3 =	vmul.f32 v8, v8;
	v5 =	vld [tilespmem:s17+$0x88A0]  }
0x70: {  	v0 =	vmul.f32 v10, v10;
	v8 =	vmul.f32 v12, v12;
	v10 =	vld [tilespmem:s17+$0x88B0]  }
0x71: {  	v11 =	vmul.f32 v11, v11;
	v12 =	vmul.f32 v13, v13;
	v13 =	vld [tilespmem:s17+$0x88E0]  }
0x72: {  	v9 =	vadd.f32 v0, v9;
	v7 =	vadd.f32 v8, v7;
	v8 =	vmul.f32 v14, v14;
	v14 =	vld [tilespmem:s17+$0x88F0];
	s17 =	sshra.s32 s5, $0x2  }
0x73: {  	v6 =	vadd.f32 v11, v6;
	v0 =	vld [tilespmem:s17+$0x88C0];
	v4 =	vadd.f32 v12, v4;
	v11 =	vmul.f32 v1, v1  }
0x74: {  	v9 =	vadd.f32 v2, v9;
	v7 =	vadd.f32 v3, v7;
	v1 =	vld [tilespmem:s17+$0x88D0];
	v12 =	vmul.f32 v5, v5  }
0x75: {  	v6 =	vadd.f32 v8, v6;
	v2 =	vld [tilespmem:s17+$0x8880];
	v4 =	vadd.f32 v11, v4;
	v8 =	vmul.f32 v10, v10  }
0x76: {  	v9 =	vadd.f32 v17, v9;
	v7 =	vadd.f32 v18, v7;
	v3 =	vld [tilespmem:s17+$0x8890];
	v11 =	vmul.f32 v13, v13  }
.Ltmp1:
0x77: {  	v6 =	vadd.f32 v12, v6;
	v5 =	vld [tilespmem:s17+$0x8840];
	v4 =	vadd.f32 v8, v4;
	v12 =	vmul.f32 v14, v14;
	(pc) =	sbr.rel @p0 .LBB2_4-.Ltmp1, $4  }
0x78: {  	v9 =	vadd.f32 v15, v9;
	v7 =	vadd.f32 v16, v7;
	v8 =	vld [tilespmem:s17+$0x8850]  }
0x79: {  	v6 =	vadd.f32 v11, v6;
	v10 =	vld [tilespmem:s17+$0x8800];
	v4 =	vadd.f32 v12, v4  }
0x7a: {  	v12 =	vld [tilespmem:s17+$0x8810]  }
0x7b: {  	s5 =	sadd.s32 $0x400, s5;
	v11 =	vld [tilespmem:s17+$0x8820]  }
0x7c: {  	v13 =	vld [tilespmem:s17+$0x8830]  }
0x7d: {  	v14 =	vld [tilespmem:s17+$0x8860]  }
0x7e: {  	v15 =	vld [tilespmem:s17+$0x8870]  }
0x7f: {  	v16 =	vld [tilespmem:s17+$0x88A0]  }
0x80: {  	v17 =	vld [tilespmem:s17+$0x88B0]  }
0x81: {  	v18 =	vld [tilespmem:s17+$0x88E0]  }
0x82: {  	v19 =	vld [tilespmem:s17+$0x88F0];
	_ =	swait.ge [sflag:s24], $0x8000  }
0x83: {  	[sflag:s24] =	ssyncset.done $0x0  }
0x84: {  	[sflag:s24] =	ssyncadd.s32 $0xFFFF8000  }
0x85: {  	_ =	swait.ge [sflag:s18], $0x200  }
0x86: {  	[sflag:s18] =	ssyncset.done $0x0  }
0x87: {  	s5 =	simm.s32 $0x400;
	[sflag:s18] =	ssyncadd.s32 $0xFFFFFE00  }
0x88: {  	[tilespmem:s23], [sflag:$0x3] =	stream.indirect.gather [hbm4b:s1+s19], $0x80, s5, s19, $0xb8;
	[tilespmem:$0x18880] =	vst v63  }
0x89: {  	s17 =	simm.s32 $0x480  }
0x8a: {  	[tilespmem:s25], [sflag:$0x3] =	stream.indirect.gather [hbm4b:s1+s19], $0x80, s17, s19, $0xb8;
	[tilespmem:$0x18880] =	vst v63  }
0x8b: {  	_ =	swait.ge [sflag:s3], $0x4000  }
0x8c: {  	[sflag:s3] =	ssyncset.done $0x0  }
0x8d: {  	[sflag:s3] =	ssyncadd.s32 $0xFFFFC000  }
0x8e: {  	_ =	swait.ge [sflag:s3], $0x4000  }
0x8f: {  	v20 =	vmul.f32 v0, v0;
	[sflag:s3] =	ssyncset.done $0x0  }
0x90: {  	v21 =	vmul.f32 v1, v1;
	v5 =	vmul.f32 v5, v5;
	s17 =	simm.s32 $0x0;
	[sflag:s3] =	ssyncadd.s32 $0xFFFFC000  }
0x91: {  	v0 =	vmul.f32 v10, v10;
	v10 =	vmul.f32 v2, v2;
	[hbm4b:s10+s17] =	stream.linear.scatter [tilespmem:s26], [sflag:$0x7], $0x8000, $0x38;
	[tilespmem:$0x18880] =	vst v63  }
0x92: {  	v1 =	vmul.f32 v12, v12;
	v2 =	vmul.f32 v11, v11;
	s17 =	simm.s32 $0x0  }
0x93: {  	v9 =	vadd.f32 v0, v9;
	v11 =	vmul.f32 v3, v3;
	v3 =	vmul.f32 v13, v13;
	v0 =	vld [tilespmem:s17+$0x108C0]  }
0x94: {  	v8 =	vmul.f32 v8, v8;
	v7 =	vadd.f32 v1, v7;
	v12 =	vmul.f32 v14, v14;
	v1 =	vld [tilespmem:s17+$0x108D0]  }
0x95: {  	v13 =	vmul.f32 v15, v15;
	v6 =	vadd.f32 v2, v6;
	v4 =	vadd.f32 v3, v4;
	v2 =	vld [tilespmem:s17+$0x10880]  }
0x96: {  	v14 =	vmul.f32 v16, v16;
	v9 =	vadd.f32 v5, v9;
	v7 =	vadd.f32 v8, v7;
	v3 =	vld [tilespmem:s17+$0x10890]  }
0x97: {  	v6 =	vadd.f32 v12, v6;
	v12 =	vmul.f32 v17, v17;
	v4 =	vadd.f32 v13, v4;
	v5 =	vld [tilespmem:s17+$0x10840]  }
0x98: {  	v9 =	vadd.f32 v10, v9;
	v7 =	vadd.f32 v11, v7;
	v11 =	vmul.f32 v18, v18;
	v8 =	vld [tilespmem:s17+$0x10850]  }
0x99: {  	v13 =	vmul.f32 v19, v19;
	v6 =	vadd.f32 v14, v6;
	v4 =	vadd.f32 v12, v4;
	v10 =	vld [tilespmem:s17+$0x10800]  }
0x9a: {  	v9 =	vadd.f32 v20, v9;
	v7 =	vadd.f32 v21, v7;
	v12 =	vld [tilespmem:s17+$0x10810]  }
0x9b: {  	s5 =	simm.s32 $0x400;
	v6 =	vadd.f32 v11, v6;
	v4 =	vadd.f32 v13, v4;
	v11 =	vld [tilespmem:s17+$0x10820]  }
.LBB2_6:
0x9c: {  	p0 =	sne.s32 s5, $0x1FC00;
	v13 =	vld [tilespmem:s17+$0x10830]  }
0x9d: {  	v15 =	vmul.f32 v0, v0;
	v16 =	vmul.f32 v1, v1;
	v14 =	vld [tilespmem:s17+$0x10860]  }
0x9e: {  	v17 =	vmul.f32 v2, v2;
	v18 =	vmul.f32 v3, v3;
	v1 =	vld [tilespmem:s17+$0x10870]  }
0x9f: {  	v2 =	vmul.f32 v5, v5;
	v3 =	vmul.f32 v8, v8;
	v5 =	vld [tilespmem:s17+$0x108A0]  }
0xa0: {  	v0 =	vmul.f32 v10, v10;
	v8 =	vmul.f32 v12, v12;
	v10 =	vld [tilespmem:s17+$0x108B0]  }
0xa1: {  	v11 =	vmul.f32 v11, v11;
	v12 =	vmul.f32 v13, v13;
	v13 =	vld [tilespmem:s17+$0x108E0]  }
0xa2: {  	v9 =	vadd.f32 v0, v9;
	v7 =	vadd.f32 v8, v7;
	v8 =	vmul.f32 v14, v14;
	v14 =	vld [tilespmem:s17+$0x108F0];
	s17 =	sshra.s32 s5, $0x2  }
0xa3: {  	v6 =	vadd.f32 v11, v6;
	v0 =	vld [tilespmem:s17+$0x108C0];
	v4 =	vadd.f32 v12, v4;
	v11 =	vmul.f32 v1, v1  }
0xa4: {  	v9 =	vadd.f32 v2, v9;
	v7 =	vadd.f32 v3, v7;
	v1 =	vld [tilespmem:s17+$0x108D0];
	v12 =	vmul.f32 v5, v5  }
0xa5: {  	v6 =	vadd.f32 v8, v6;
	v2 =	vld [tilespmem:s17+$0x10880];
	v4 =	vadd.f32 v11, v4;
	v8 =	vmul.f32 v10, v10  }
0xa6: {  	v9 =	vadd.f32 v17, v9;
	v7 =	vadd.f32 v18, v7;
	v3 =	vld [tilespmem:s17+$0x10890];
	v11 =	vmul.f32 v13, v13  }
.Ltmp2:
0xa7: {  	v6 =	vadd.f32 v12, v6;
	v5 =	vld [tilespmem:s17+$0x10840];
	v4 =	vadd.f32 v8, v4;
	v12 =	vmul.f32 v14, v14;
	(pc) =	sbr.rel @p0 .LBB2_6-.Ltmp2, $4  }
0xa8: {  	v9 =	vadd.f32 v15, v9;
	v7 =	vadd.f32 v16, v7;
	v8 =	vld [tilespmem:s17+$0x10850]  }
0xa9: {  	v6 =	vadd.f32 v11, v6;
	v10 =	vld [tilespmem:s17+$0x10800];
	v4 =	vadd.f32 v12, v4  }
0xaa: {  	v12 =	vld [tilespmem:s17+$0x10810]  }
0xab: {  	s5 =	sadd.s32 $0x400, s5;
	v11 =	vld [tilespmem:s17+$0x10820]  }
0xac: {  	v13 =	vld [tilespmem:s17+$0x10830]  }
0xad: {  	v14 =	vld [tilespmem:s17+$0x10860]  }
0xae: {  	v15 =	vld [tilespmem:s17+$0x10870]  }
0xaf: {  	v16 =	vld [tilespmem:s17+$0x108A0]  }
0xb0: {  	v17 =	vld [tilespmem:s17+$0x108B0]  }
0xb1: {  	v18 =	vld [tilespmem:s17+$0x108E0]  }
0xb2: {  	v19 =	vld [tilespmem:s17+$0x108F0];
	_ =	swait.ge [sflag:s2], $0x8000  }
0xb3: {  	[sflag:s2] =	ssyncset.done $0x0  }
0xb4: {  	s5 =	simm.s32 $0x500;
	[sflag:s2] =	ssyncadd.s32 $0xFFFF8000  }
0xb5: {  	[tilespmem:s26], [sflag:$0x4] =	stream.indirect.gather [hbm4b:s1+s19], $0x80, s5, s19, $0xb8;
	[tilespmem:$0x18880] =	vst v63  }
0xb6: {  	s17 =	simm.s32 $0x580  }
0xb7: {  	[tilespmem:s29], [sflag:$0x4] =	stream.indirect.gather [hbm4b:s1+s19], $0x80, s17, s19, $0xb8;
	[tilespmem:$0x18880] =	vst v63  }
0xb8: {  	_ =	swait.ge [sflag:s30], $0x4000  }
0xb9: {  	[sflag:s30] =	ssyncset.done $0x0  }
0xba: {  	[sflag:s30] =	ssyncadd.s32 $0xFFFFC000  }
0xbb: {  	_ =	swait.ge [sflag:s30], $0x4000  }
0xbc: {  	v20 =	vmul.f32 v0, v0;
	[sflag:s30] =	ssyncset.done $0x0  }
0xbd: {  	v21 =	vmul.f32 v1, v1;
	v5 =	vmul.f32 v5, v5;
	s17 =	simm.s32 $0x0;
	[sflag:s30] =	ssyncadd.s32 $0xFFFFC000  }
0xbe: {  	v0 =	vmul.f32 v10, v10;
	v10 =	vmul.f32 v2, v2;
	[hbm4b:s11+s17] =	stream.linear.scatter [tilespmem:s20], [sflag:$0x5], $0x8000, $0x38;
	[tilespmem:$0x18880] =	vst v63  }
0xbf: {  	v1 =	vmul.f32 v12, v12;
	v2 =	vmul.f32 v11, v11;
	s17 =	simm.s32 $0x0  }
0xc0: {  	v9 =	vadd.f32 v0, v9;
	v11 =	vmul.f32 v3, v3;
	v3 =	vmul.f32 v13, v13;
	v0 =	vld [tilespmem:s17+$0x8C0]  }
0xc1: {  	v8 =	vmul.f32 v8, v8;
	v7 =	vadd.f32 v1, v7;
	v12 =	vmul.f32 v14, v14;
	v1 =	vld [tilespmem:s17+$0x8D0]  }
0xc2: {  	v13 =	vmul.f32 v15, v15;
	v6 =	vadd.f32 v2, v6;
	v4 =	vadd.f32 v3, v4;
	v2 =	vld [tilespmem:s17+$0x880]  }
0xc3: {  	v14 =	vmul.f32 v16, v16;
	v9 =	vadd.f32 v5, v9;
	v7 =	vadd.f32 v8, v7;
	v3 =	vld [tilespmem:s17+$0x890]  }
0xc4: {  	v6 =	vadd.f32 v12, v6;
	v12 =	vmul.f32 v17, v17;
	v4 =	vadd.f32 v13, v4;
	v5 =	vld [tilespmem:s17+$0x840]  }
0xc5: {  	v9 =	vadd.f32 v10, v9;
	v7 =	vadd.f32 v11, v7;
	v11 =	vmul.f32 v18, v18;
	v8 =	vld [tilespmem:s17+$0x850]  }
0xc6: {  	v13 =	vmul.f32 v19, v19;
	v6 =	vadd.f32 v14, v6;
	v4 =	vadd.f32 v12, v4;
	v10 =	vld [tilespmem:s17+$0x800]  }
0xc7: {  	v9 =	vadd.f32 v20, v9;
	v7 =	vadd.f32 v21, v7;
	v12 =	vld [tilespmem:s17+$0x810]  }
0xc8: {  	s5 =	simm.s32 $0x400;
	v6 =	vadd.f32 v11, v6;
	v4 =	vadd.f32 v13, v4;
	v11 =	vld [tilespmem:s17+$0x820]  }
.LBB2_8:
0xc9: {  	p0 =	sne.s32 s5, $0x1FC00;
	v13 =	vld [tilespmem:s17+$0x830]  }
0xca: {  	v15 =	vmul.f32 v0, v0;
	v16 =	vmul.f32 v1, v1;
	v14 =	vld [tilespmem:s17+$0x860]  }
0xcb: {  	v17 =	vmul.f32 v2, v2;
	v18 =	vmul.f32 v3, v3;
	v1 =	vld [tilespmem:s17+$0x870]  }
0xcc: {  	v2 =	vmul.f32 v5, v5;
	v3 =	vmul.f32 v8, v8;
	v5 =	vld [tilespmem:s17+$0x8A0]  }
0xcd: {  	v0 =	vmul.f32 v10, v10;
	v8 =	vmul.f32 v12, v12;
	v10 =	vld [tilespmem:s17+$0x8B0]  }
0xce: {  	v11 =	vmul.f32 v11, v11;
	v12 =	vmul.f32 v13, v13;
	v13 =	vld [tilespmem:s17+$0x8E0]  }
0xcf: {  	v9 =	vadd.f32 v0, v9;
	v7 =	vadd.f32 v8, v7;
	v8 =	vmul.f32 v14, v14;
	v14 =	vld [tilespmem:s17+$0x8F0];
	s17 =	sshra.s32 s5, $0x2  }
0xd0: {  	v6 =	vadd.f32 v11, v6;
	v0 =	vld [tilespmem:s17+$0x8C0];
	v4 =	vadd.f32 v12, v4;
	v11 =	vmul.f32 v1, v1  }
0xd1: {  	v9 =	vadd.f32 v2, v9;
	v7 =	vadd.f32 v3, v7;
	v1 =	vld [tilespmem:s17+$0x8D0];
	v12 =	vmul.f32 v5, v5  }
0xd2: {  	v6 =	vadd.f32 v8, v6;
	v2 =	vld [tilespmem:s17+$0x880];
	v4 =	vadd.f32 v11, v4;
	v8 =	vmul.f32 v10, v10  }
0xd3: {  	v9 =	vadd.f32 v17, v9;
	v7 =	vadd.f32 v18, v7;
	v3 =	vld [tilespmem:s17+$0x890];
	v11 =	vmul.f32 v13, v13  }
.Ltmp3:
0xd4: {  	v6 =	vadd.f32 v12, v6;
	v5 =	vld [tilespmem:s17+$0x840];
	v4 =	vadd.f32 v8, v4;
	v12 =	vmul.f32 v14, v14;
	(pc) =	sbr.rel @p0 .LBB2_8-.Ltmp3, $4  }
0xd5: {  	v9 =	vadd.f32 v15, v9;
	v7 =	vadd.f32 v16, v7;
	v8 =	vld [tilespmem:s17+$0x850]  }
0xd6: {  	v6 =	vadd.f32 v11, v6;
	v10 =	vld [tilespmem:s17+$0x800];
	v4 =	vadd.f32 v12, v4  }
0xd7: {  	v12 =	vld [tilespmem:s17+$0x810]  }
0xd8: {  	s5 =	sadd.s32 $0x400, s5;
	v11 =	vld [tilespmem:s17+$0x820]  }
0xd9: {  	v13 =	vld [tilespmem:s17+$0x830]  }
0xda: {  	v14 =	vld [tilespmem:s17+$0x860]  }
0xdb: {  	v15 =	vld [tilespmem:s17+$0x870]  }
0xdc: {  	v16 =	vld [tilespmem:s17+$0x8A0]  }
0xdd: {  	v17 =	vld [tilespmem:s17+$0x8B0]  }
0xde: {  	v18 =	vld [tilespmem:s17+$0x8E0]  }
0xdf: {  	v19 =	vld [tilespmem:s17+$0x8F0];
	_ =	swait.ge [sflag:s31], $0x8000  }
0xe0: {  	[sflag:s31] =	ssyncset.done $0x0  }
0xe1: {  	[sflag:s31] =	ssyncadd.s32 $0xFFFF8000  }
0xe2: {  	_ =	swait.ge [sflag:s22], $0x4000  }
0xe3: {  	[sflag:s22] =	ssyncset.done $0x0  }
0xe4: {  	[sflag:s22] =	ssyncadd.s32 $0xFFFFC000  }
0xe5: {  	v20 =	vmul.f32 v0, v0;
	_ =	swait.ge [sflag:s22], $0x4000  }
0xe6: {  	v21 =	vmul.f32 v1, v1;
	v5 =	vmul.f32 v5, v5;
	[sflag:s22] =	ssyncset.done $0x0  }
0xe7: {  	s5 =	simm.s32 $0x0;
	s17 =	simm.s32 $0x0;
	v0 =	vmul.f32 v10, v10;
	v10 =	vmul.f32 v2, v2;
	[sflag:s22] =	ssyncadd.s32 $0xFFFFC000  }
0xe8: {  	v1 =	vmul.f32 v12, v12;
	v2 =	vmul.f32 v11, v11;
	[hbm4b:s12+s5] =	stream.linear.scatter [tilespmem:s23], [sflag:$0x6], $0x8000, $0x38;
	[tilespmem:$0x18880] =	vst v63  }
0xe9: {  	v9 =	vadd.f32 v0, v9;
	v11 =	vmul.f32 v3, v3;
	v3 =	vmul.f32 v13, v13;
	v0 =	vld [tilespmem:s17+$0x88C0]  }
0xea: {  	v8 =	vmul.f32 v8, v8;
	v7 =	vadd.f32 v1, v7;
	v12 =	vmul.f32 v14, v14;
	v1 =	vld [tilespmem:s17+$0x88D0]  }
0xeb: {  	v13 =	vmul.f32 v15, v15;
	v6 =	vadd.f32 v2, v6;
	v4 =	vadd.f32 v3, v4;
	v2 =	vld [tilespmem:s17+$0x8880]  }
0xec: {  	v14 =	vmul.f32 v16, v16;
	v9 =	vadd.f32 v5, v9;
	v7 =	vadd.f32 v8, v7;
	v3 =	vld [tilespmem:s17+$0x8890]  }
0xed: {  	v6 =	vadd.f32 v12, v6;
	v12 =	vmul.f32 v17, v17;
	v4 =	vadd.f32 v13, v4;
	v5 =	vld [tilespmem:s17+$0x8840]  }
0xee: {  	v9 =	vadd.f32 v10, v9;
	v7 =	vadd.f32 v11, v7;
	v11 =	vmul.f32 v18, v18;
	v8 =	vld [tilespmem:s17+$0x8850]  }
0xef: {  	v13 =	vmul.f32 v19, v19;
	v6 =	vadd.f32 v14, v6;
	v10 =	vld [tilespmem:s17+$0x8800];
	v4 =	vadd.f32 v12, v4  }
0xf0: {  	v9 =	vadd.f32 v20, v9;
	v7 =	vadd.f32 v21, v7;
	v12 =	vld [tilespmem:s17+$0x8810]  }
0xf1: {  	s5 =	simm.s32 $0x400;
	v6 =	vadd.f32 v11, v6;
	v11 =	vld [tilespmem:s17+$0x8820];
	v4 =	vadd.f32 v13, v4  }
.LBB2_10:
0xf2: {  	p0 =	sne.s32 s5, $0x1FC00;
	v13 =	vld [tilespmem:s17+$0x8830]  }
0xf3: {  	v15 =	vmul.f32 v0, v0;
	v16 =	vmul.f32 v1, v1;
	v14 =	vld [tilespmem:s17+$0x8860]  }
0xf4: {  	v17 =	vmul.f32 v2, v2;
	v18 =	vmul.f32 v3, v3;
	v1 =	vld [tilespmem:s17+$0x8870]  }
0xf5: {  	v2 =	vmul.f32 v5, v5;
	v3 =	vmul.f32 v8, v8;
	v5 =	vld [tilespmem:s17+$0x88A0]  }
0xf6: {  	v0 =	vmul.f32 v10, v10;
	v8 =	vmul.f32 v12, v12;
	v10 =	vld [tilespmem:s17+$0x88B0]  }
0xf7: {  	v11 =	vmul.f32 v11, v11;
	v12 =	vmul.f32 v13, v13;
	v13 =	vld [tilespmem:s17+$0x88E0]  }
0xf8: {  	v9 =	vadd.f32 v0, v9;
	v7 =	vadd.f32 v8, v7;
	v8 =	vmul.f32 v14, v14;
	v14 =	vld [tilespmem:s17+$0x88F0];
	s17 =	sshra.s32 s5, $0x2  }
0xf9: {  	v6 =	vadd.f32 v11, v6;
	v0 =	vld [tilespmem:s17+$0x88C0];
	v4 =	vadd.f32 v12, v4;
	v11 =	vmul.f32 v1, v1  }
0xfa: {  	v9 =	vadd.f32 v2, v9;
	v7 =	vadd.f32 v3, v7;
	v1 =	vld [tilespmem:s17+$0x88D0];
	v12 =	vmul.f32 v5, v5  }
0xfb: {  	v6 =	vadd.f32 v8, v6;
	v2 =	vld [tilespmem:s17+$0x8880];
	v4 =	vadd.f32 v11, v4;
	v8 =	vmul.f32 v10, v10  }
0xfc: {  	v9 =	vadd.f32 v17, v9;
	v7 =	vadd.f32 v18, v7;
	v3 =	vld [tilespmem:s17+$0x8890];
	v11 =	vmul.f32 v13, v13  }
.Ltmp4:
0xfd: {  	v6 =	vadd.f32 v12, v6;
	v5 =	vld [tilespmem:s17+$0x8840];
	v4 =	vadd.f32 v8, v4;
	v12 =	vmul.f32 v14, v14;
	(pc) =	sbr.rel @p0 .LBB2_10-.Ltmp4, $4  }
0xfe: {  	v9 =	vadd.f32 v15, v9;
	v7 =	vadd.f32 v16, v7;
	v8 =	vld [tilespmem:s17+$0x8850]  }
0xff: {  	v6 =	vadd.f32 v11, v6;
	v10 =	vld [tilespmem:s17+$0x8800];
	v4 =	vadd.f32 v12, v4  }
0x100: {  	v12 =	vld [tilespmem:s17+$0x8810]  }
0x101: {  	s5 =	sadd.s32 $0x400, s5;
	v11 =	vld [tilespmem:s17+$0x8820]  }
0x102: {  	v13 =	vld [tilespmem:s17+$0x8830]  }
0x103: {  	v14 =	vld [tilespmem:s17+$0x8860]  }
0x104: {  	v15 =	vld [tilespmem:s17+$0x8870]  }
0x105: {  	v16 =	vld [tilespmem:s17+$0x88A0]  }
0x106: {  	v17 =	vld [tilespmem:s17+$0x88B0]  }
0x107: {  	v18 =	vld [tilespmem:s17+$0x88E0]  }
0x108: {  	v19 =	vld [tilespmem:s17+$0x88F0];
	_ =	swait.ge [sflag:s24], $0x8000  }
0x109: {  	[sflag:s24] =	ssyncset.done $0x0  }
0x10a: {  	[sflag:s24] =	ssyncadd.s32 $0xFFFF8000  }
0x10b: {  	_ =	swait.ge [sflag:s3], $0x4000  }
0x10c: {  	[sflag:s3] =	ssyncset.done $0x0  }
0x10d: {  	[sflag:s3] =	ssyncadd.s32 $0xFFFFC000  }
0x10e: {  	v20 =	vmul.f32 v0, v0;
	_ =	swait.ge [sflag:s3], $0x4000  }
0x10f: {  	v21 =	vmul.f32 v1, v1;
	v3 =	vmul.f32 v3, v3;
	[sflag:s3] =	ssyncset.done $0x0  }
0x110: {  	s5 =	simm.s32 $0x0;
	s17 =	simm.s32 $0x0;
	v5 =	vmul.f32 v5, v5;
	v0 =	vmul.f32 v10, v10;
	[sflag:s3] =	ssyncadd.s32 $0xFFFFC000  }
0x111: {  	v10 =	vmul.f32 v2, v2;
	v1 =	vmul.f32 v12, v12;
	[hbm4b:s13+s5] =	stream.linear.scatter [tilespmem:s26], [sflag:$0x7], $0x8000, $0x38;
	[tilespmem:$0x18880] =	vst v63  }
0x112: {  	v9 =	vadd.f32 v0, v9;
	v2 =	vmul.f32 v11, v11;
	v11 =	vmul.f32 v13, v13;
	v0 =	vld [tilespmem:s17+$0x108C0]  }
0x113: {  	v8 =	vmul.f32 v8, v8;
	v7 =	vadd.f32 v1, v7;
	v12 =	vmul.f32 v14, v14;
	v1 =	vld [tilespmem:s17+$0x108D0]  }
0x114: {  	v6 =	vadd.f32 v2, v6;
	v4 =	vadd.f32 v11, v4;
	v11 =	vmul.f32 v15, v15;
	v2 =	vld [tilespmem:s17+$0x10880]  }
0x115: {  	v13 =	vmul.f32 v16, v16;
	v9 =	vadd.f32 v5, v9;
	v7 =	vadd.f32 v8, v7;
	v5 =	vld [tilespmem:s17+$0x10890]  }
0x116: {  	v6 =	vadd.f32 v12, v6;
	v4 =	vadd.f32 v11, v4;
	v11 =	vmul.f32 v17, v17;
	v8 =	vld [tilespmem:s17+$0x10840]  }
0x117: {  	v14 =	vmul.f32 v18, v18;
	v12 =	vadd.f32 v10, v9;
	v3 =	vadd.f32 v3, v7;
	v9 =	vld [tilespmem:s17+$0x10850]  }
0x118: {  	v15 =	vmul.f32 v19, v19;
	v13 =	vadd.f32 v13, v6;
	v10 =	vld [tilespmem:s17+$0x10800];
	v4 =	vadd.f32 v11, v4  }
0x119: {  	v6 =	vadd.f32 v20, v12;
	v12 =	vld [tilespmem:s17+$0x10820];
	v7 =	vadd.f32 v21, v3  }
0x11a: {  	s5 =	simm.s32 $0x400;
	v11 =	vld [tilespmem:s17+$0x10810];
	v3 =	vadd.f32 v14, v13;
	v4 =	vadd.f32 v15, v4  }
.LBB2_12:
0x11b: {  	p0 =	sne.s32 s5, $0x1FC00;
	v13 =	vld [tilespmem:s17+$0x10830]  }
0x11c: {  	v15 =	vmul.f32 v0, v0;
	v16 =	vmul.f32 v1, v1;
	v14 =	vld [tilespmem:s17+$0x10860]  }
0x11d: {  	v17 =	vmul.f32 v2, v2;
	v18 =	vmul.f32 v5, v5;
	v1 =	vld [tilespmem:s17+$0x10870]  }
0x11e: {  	v2 =	vmul.f32 v8, v8;
	v5 =	vmul.f32 v9, v9;
	v8 =	vld [tilespmem:s17+$0x108A0]  }
0x11f: {  	v0 =	vmul.f32 v10, v10;
	v9 =	vmul.f32 v11, v11;
	v10 =	vld [tilespmem:s17+$0x108B0]  }
0x120: {  	v11 =	vmul.f32 v12, v12;
	v12 =	vmul.f32 v13, v13;
	v13 =	vld [tilespmem:s17+$0x108E0]  }
0x121: {  	v6 =	vadd.f32 v0, v6;
	v7 =	vadd.f32 v9, v7;
	v9 =	vmul.f32 v14, v14;
	v14 =	vld [tilespmem:s17+$0x108F0];
	s17 =	sshra.s32 s5, $0x2  }
0x122: {  	v3 =	vadd.f32 v11, v3;
	v0 =	vld [tilespmem:s17+$0x108C0];
	v4 =	vadd.f32 v12, v4;
	v11 =	vmul.f32 v1, v1  }
0x123: {  	v6 =	vadd.f32 v2, v6;
	v7 =	vadd.f32 v5, v7;
	v1 =	vld [tilespmem:s17+$0x108D0];
	v12 =	vmul.f32 v8, v8  }
0x124: {  	v3 =	vadd.f32 v9, v3;
	v2 =	vld [tilespmem:s17+$0x10880];
	v4 =	vadd.f32 v11, v4;
	v9 =	vmul.f32 v10, v10  }
0x125: {  	v6 =	vadd.f32 v17, v6;
	v7 =	vadd.f32 v18, v7;
	v5 =	vld [tilespmem:s17+$0x10890];
	v11 =	vmul.f32 v13, v13  }
.Ltmp5:
0x126: {  	v3 =	vadd.f32 v12, v3;
	v8 =	vld [tilespmem:s17+$0x10840];
	v4 =	vadd.f32 v9, v4;
	v12 =	vmul.f32 v14, v14;
	(pc) =	sbr.rel @p0 .LBB2_12-.Ltmp5, $4  }
0x127: {  	v6 =	vadd.f32 v15, v6;
	v7 =	vadd.f32 v16, v7;
	v9 =	vld [tilespmem:s17+$0x10850]  }
0x128: {  	v3 =	vadd.f32 v11, v3;
	v10 =	vld [tilespmem:s17+$0x10800];
	v4 =	vadd.f32 v12, v4  }
0x129: {  	v11 =	vld [tilespmem:s17+$0x10810]  }
0x12a: {  	s5 =	sadd.s32 $0x400, s5;
	v12 =	vld [tilespmem:s17+$0x10820]  }
0x12b: {  	v13 =	vld [tilespmem:s17+$0x10830]  }
0x12c: {  	v14 =	vld [tilespmem:s17+$0x10860];
	v0 =	vmul.f32 v0, v0;
	v1 =	vmul.f32 v1, v1  }
0x12d: {  	v15 =	vld [tilespmem:s17+$0x10870];
	v2 =	vmul.f32 v2, v2;
	v5 =	vmul.f32 v5, v5  }
0x12e: {  	v8 =	vmul.f32 v8, v8;
	v16 =	vld [tilespmem:s17+$0x108A0];
	v9 =	vmul.f32 v9, v9  }
0x12f: {  	v17 =	vld [tilespmem:s17+$0x108B0];
	v10 =	vmul.f32 v10, v10;
	v11 =	vmul.f32 v11, v11  }
0x130: {  	v18 =	vld [tilespmem:s17+$0x108E0];
	v12 =	vmul.f32 v12, v12;
	v13 =	vmul.f32 v13, v13  }
0x131: {  	v55 =	vld [tilespmem:s17+$0x108F0];
	v6 =	vadd.f32 v10, v6;
	v7 =	vadd.f32 v11, v7;
	v54 =	vmul.f32 v14, v14  }
0x132: {  	v56 =	vmul.f32 v15, v15;
	v3 =	vadd.f32 v12, v3;
	v4 =	vadd.f32 v13, v4  }
0x133: {  	v57 =	vmul.f32 v16, v16;
	v6 =	vadd.f32 v8, v6;
	v7 =	vadd.f32 v9, v7  }
0x134: {  	v58 =	vmul.f32 v17, v17;
	v3 =	vadd.f32 v54, v3;
	v4 =	vadd.f32 v56, v4  }
0x135: {  	v59 =	vmul.f32 v18, v18;
	v2 =	vadd.f32 v2, v6;
	v5 =	vadd.f32 v5, v7  }
0x136: {  	v60 =	vmul.f32 v55, v55;
	v3 =	vadd.f32 v57, v3;
	v4 =	vadd.f32 v58, v4  }
0x137: {  	v0 =	vadd.f32 v0, v2;
	v1 =	vadd.f32 v1, v5  }
0x138: {  	v61 =	vadd.f32 v59, v3;
	v62 =	vadd.f32 v60, v4;
	_ =	sdelay $0x1  }
0x139: {  	v0 =	vadd.f32 v1, v0;
	v63 =	vadd.f32 v62, v61  }
0x13a: {  	_ =	swait.ge [sflag:s2], $0x8000  }
0x13b: {  	s16 =	sadd.s32 $0x1, s16;
	[sflag:s2] =	ssyncset.done $0x0;
	v0 =	vadd.f32 v63, v0  }
0x13c: {  	p0 =	sne.s32 s16, s15;
	[sflag:s2] =	ssyncadd.s32 $0xFFFF8000  }
.Ltmp6:
0x13d: {  	s5 =	simm.s32 $0x18800;
	[tilespmem:$0x18800] =	vst v0;
	(pc) =	sbr.rel @p0 .LBB2_1-.Ltmp6, $4  }
0x13e: {  	[hbm4b:s14+s4] =	stream.linear.scatter [tilespmem:s5], [sflag:$0x8], $0x80, $0x38;
	[tilespmem:$0x18880] =	vst v63  }
0x13f: {  	_ =	swait.ge [sflag:s28], $0x80  }
0x140: {  	[sflag:s28] =	ssyncset.done $0x0  }
0x141: {  	[sflag:s28] =	ssyncadd.s32 $0xFFFFFF80  }
0x142: {  	_ =	sfence.sel $0x180000  }
0x143: {  	[bflag:$0x0] =	sbarrier.arrive $0xFFFF  }
0x144: {  	_ =	strace $0x90000047  }
0x145: {  	s0 =	stileid.u32;
	[bflag:$0x2] =	sbarrier.arrive $0xFFFF  }
0x146: {  	p0 =	sne.s32 s0, $0x0;
	s0 =	rddreg [dreg:$0x9]  }
0x147: {  	s0 =	sadd.s32 @!p0 $0x100000, s0  }
0x148: {  	[sflag:s0] =	ssyncadd.tile.s32 @!p0 $0x1;
	_ =	shalt  }
.Lfunc_end2:
_tile_overlayer_lowered:
.L_overlay_start_2:
0x149: {  	(tag) =	ssettag $0x2  }
0x14a: {  	s0 =	rddreg [dreg:$0x0];
	s2 =	stileid.u32  }
0x14b: {  	s1 =	rddreg [dreg:$0x1];
	p0 =	sne.s32 s2, $0x0  }
0x14c: {  	s3 =	rddreg [dreg:$0x2];
	[bflag:$0x3] =	sbarrier.arrive $0xFFFF;
	s2 =	simm.s32 @!p0 $0x1C08  }
0x14d: {  	[timem:s3], [sflag:s2] =	dma.local @!p0 [hbm:s0], s1  }
0x14e: {  	s0 =	simm.s32 @!p0 $0x8  }
0x14f: {  	_ =	swait.ge @!p0 [sflag:s0], s1  }
0x150: {  	s1 =	ssub.s32 @!p0 $0x0, s1;
	[sflag:s0] =	ssyncset.done @!p0 $0x0  }
0x151: {  	[sflag:s0] =	ssyncadd.s32 @!p0 s1  }
0x152: {  	[bflag:$0x3] =	sbarrier.arrive $0xFFFF  }
0x153: {  	_ =	shalt  }

</sc_bundles>
